<compile_context>
chip_gen: v7x
topology: tpu7x:2x2x1
jax: 0.10.2.dev20260603
libtpu: 0.0.44.dev20260713+nightly
codegen_flags: <defaults>
</compile_context>

<pallas_src>
import functools

import jax
import jax.numpy as jnp
from jax import lax
from jax.experimental import pallas as pl
from jax.experimental.pallas import tpu as pltpu
from jax.experimental.pallas import tpu_sc as plsc

_BK = 8192


def _make_tc_transform(V, D, D_out, split):
    nlo = split // _BK
    R = V - split
    grid = (R + _BK - 1) // _BK

    def body(xlo_ref, xhi_ref, w4_ref, b2_ref, o_ref):
        xcat = jnp.concatenate([xlo_ref[...], xhi_ref[...]], axis=0)
        yt = lax.dot_general(xcat, w4_ref[...], (((0,), (0,)), ((), ())),
                             preferred_element_type=jnp.float32)
        o_ref[...] = yt + b2_ref[...]

    return pl.pallas_call(
        body,
        grid=(grid,),
        in_specs=[
            pl.BlockSpec((D, _BK), lambda j: (0, j)),
            pl.BlockSpec((D, _BK), lambda j: (0, j + nlo)),
            pl.BlockSpec((2 * D, 2 * D_out), lambda j: (0, 0)),
            pl.BlockSpec((1, 2 * D_out), lambda j: (0, 0)),
        ],
        out_specs=pl.BlockSpec((_BK, 2 * D_out), lambda j: (j, 0)),
        out_shape=jax.ShapeDtypeStruct((R, 2 * D_out), jnp.float32),
        compiler_params=pltpu.CompilerParams(
            dimension_semantics=("arbitrary",),
        ),
    )


def _make_sc_gather(D2, B):
    info = plsc.get_sparse_core_info()
    NC, NS = info.num_cores, info.num_subcores
    NW = NC * NS
    assert B % NW == 0
    b_per_w = B // NW
    CH = 416
    assert b_per_w % (2 * CH) == 0
    n_pairs = b_per_w // (2 * CH)
    mesh = plsc.VectorSubcoreMesh(core_axis_name="c", subcore_axis_name="s")

    @functools.partial(
        pl.kernel,
        out_type=jax.ShapeDtypeStruct((B, D2), jnp.float32),
        mesh=mesh,
        scratch_types=[
            pltpu.VMEM((CH,), jnp.int32),
            pltpu.VMEM((CH,), jnp.int32),
            pltpu.VMEM((CH, D2), jnp.float32),
            pltpu.VMEM((CH, D2), jnp.float32),
            pltpu.SemaphoreType.DMA,
            pltpu.SemaphoreType.DMA,
        ],
    )
    def sc_gather(table_hbm, idx_hbm, out_hbm, i0, i1, r0, r1, s0, s1):
        wid = lax.axis_index("s") * NC + lax.axis_index("c")
        base = wid * b_per_w

        pltpu.sync_copy(idx_hbm.at[pl.ds(base, CH)], i0)
        g0 = pltpu.async_copy(table_hbm.at[i0], r0, s0)
        pltpu.sync_copy(idx_hbm.at[pl.ds(base + CH, CH)], i1)
        g1 = pltpu.async_copy(table_hbm.at[i1], r1, s1)

        def body(p, carry):
            ca = base + 2 * p * CH
            g0.wait()
            pltpu.sync_copy(r0, out_hbm.at[pl.ds(ca, CH)])

            @pl.when(p + 1 < n_pairs)
            def _():
                pltpu.sync_copy(idx_hbm.at[pl.ds(ca + 2 * CH, CH)], i0)
                pltpu.async_copy(table_hbm.at[i0], r0, s0)

            g1.wait()
            pltpu.sync_copy(r1, out_hbm.at[pl.ds(ca + CH, CH)])

            @pl.when(p + 1 < n_pairs)
            def _():
                pltpu.sync_copy(idx_hbm.at[pl.ds(ca + 3 * CH, CH)], i1)
                pltpu.async_copy(table_hbm.at[i1], r1, s1)

            return carry

        lax.fori_loop(0, n_pairs, body, 0)

    return sc_gather


def _make_tc_emit_chunk(Bt, L, Lh, l0, Bc, jb0, D_out, aliased):
    BB = 4096
    assert Bc % BB == 0
    nj = Bc // BB

    def select_t(x, h):
        xt = x.T
        lo = xt[:D_out, :]
        hi = xt[D_out:, :]
        return (lo + h * (hi - lo))[None]

    if aliased:
        def body(prev_ref, x_ref, h_ref, o_ref):
            o_ref[...] = select_t(x_ref[...], h_ref[0])

        in_specs = [
            pl.BlockSpec((1, 8, 128), lambda l, j: (0, 0, 0)),
            pl.BlockSpec((BB, 2 * D_out), lambda l, j: (l * nj + j, 0)),
            pl.BlockSpec((1, 1, BB), lambda l, j: (l + l0, 0, jb0 + j)),
        ]
        io_alias = {0: 0}
    else:
        def body(x_ref, h_ref, o_ref):
            o_ref[...] = select_t(x_ref[...], h_ref[0])

        in_specs = [
            pl.BlockSpec((BB, 2 * D_out), lambda l, j: (l * nj + j, 0)),
            pl.BlockSpec((1, 1, BB), lambda l, j: (l + l0, 0, jb0 + j)),
        ]
        io_alias = {}

    return pl.pallas_call(
        body,
        grid=(Lh, nj),
        in_specs=in_specs,
        out_specs=pl.BlockSpec((1, D_out, BB),
                               lambda l, j: (l + l0, 0, jb0 + j)),
        out_shape=jax.ShapeDtypeStruct((L, D_out, Bt), jnp.float32),
        input_output_aliases=io_alias,
        compiler_params=pltpu.CompilerParams(
            dimension_semantics=("arbitrary", "arbitrary"),
        ),
    )


def kernel(indices, table, W, b):
    Bt, L = indices.shape
    V, D = table.shape
    D_out = W.shape[1]
    Lh = L // 2
    Bc = Bt // 2
    Bh = Bc * Lh
    split = (V // 2 // _BK) * _BK
    tT = table.T
    zero = jnp.zeros_like(W)
    W4 = jnp.concatenate(
        [jnp.concatenate([W, zero], axis=1),
         jnp.concatenate([zero, W], axis=1)], axis=0)
    b2 = jnp.concatenate([b, b]).reshape(1, 2 * D_out)
    twb = _make_tc_transform(V, D, D_out, split)(tT, tT, W4, b2)
    idxT = indices.T.astype(jnp.int32)
    idx2 = jnp.where(idxT < split, idxT, idxT - split)
    half = (idxT >= split).astype(jnp.float32).reshape(L, 1, Bt)
    gather = _make_sc_gather(2 * D_out, Bh)
    chunks = [(l0, b0) for l0 in (0, Lh) for b0 in (0, Bc)]
    gs = [gather(twb,
                 lax.slice(idx2, (l0, b0), (l0 + Lh, b0 + Bc)).reshape(Bh))
          for l0, b0 in chunks]
    out = None
    for k, (l0, b0) in enumerate(chunks):
        emit = _make_tc_emit_chunk(Bt, L, Lh, l0, Bc, b0 // 4096, D_out,
                                   aliased=(k > 0))
        out = emit(gs[k], half) if k == 0 else emit(out, gs[k], half)
    return jnp.transpose(out, (2, 0, 1))

# --- scband reference (transcript-rebuilt; emitter-appended) ---
"""Pipeline reference for scband-pretrained-lookup-table-encoder-50663434224013 (READ-ONLY COPY).

The authoritative reference and input builder live on the scoring server;
editing this copy changes nothing except your own understanding.
"""

import jax, jax.numpy as jnp
import numpy as np

VOCAB = 1000000
IN_DIM = 64
OUT_DIM = 64
BATCH = 16384
L = 26

def setup_inputs(seed: int = 0) -> dict:
    key = jax.random.key(seed)
    k1, k2, k3, k4 = jax.random.split(key, 4)
    indices = jax.random.randint(k1, (BATCH, L), 0, VOCAB, dtype=jnp.int64 if jax.config.jax_enable_x64 else jnp.int32)
    # pretrained embedding table (stands in for data_dict['embeddings'] loaded from file)
    table = jax.random.normal(k2, (VOCAB, IN_DIM), dtype=jnp.float32) * 0.02
    # linear layer params (nn.Linear(in_dim, dim))
    W = jax.random.normal(k3, (IN_DIM, OUT_DIM), dtype=jnp.float32) * (1.0 / np.sqrt(IN_DIM))
    b = jax.random.normal(k4, (OUT_DIM,), dtype=jnp.float32) * 0.01
    return {"indices": indices, "table": table, "W": W, "b": b}

def reference(indices, table, W, b):
    # embs = self.embeddings(indices)
    embs = jnp.take(table, indices, axis=0)  # [B, L, IN_DIM]
    # embs = self.linear(embs)
    out = jnp.einsum("bli,io->blo", embs, W) + b
    return out

if __name__ == "__main__":
    import jax
    _d = setup_inputs()
    print(jax.jit(kernel)(*tuple(_d.values())))

</pallas_src>

<mosaic_0001>
#map = affine_map<(d0, d1) -> (0, 0)>
#map1 = affine_map<(d0, d1) -> (0)>
module attributes {stable_mosaic.version = 14 : i64} {
  func.func @sc_gather(%arg0: i32, %arg1: i32, %arg2: memref<500288x128xf32, #tpu.memory_space<hbm>>, %arg3: memref<106496xi32, #tpu.memory_space<hbm>>, %arg4: memref<106496x128xf32, #tpu.memory_space<hbm>>, %arg5: memref<416xi32, #tpu.memory_space<vmem>>, %arg6: memref<416xi32, #tpu.memory_space<vmem>>, %arg7: memref<416x128xf32, #tpu.memory_space<vmem>>, %arg8: memref<416x128xf32, #tpu.memory_space<vmem>>, %arg9: memref<!tpu.dma_semaphore, #tpu.memory_space<semaphore_mem>>, %arg10: memref<!tpu.dma_semaphore, #tpu.memory_space<semaphore_mem>>) attributes {dimension_semantics = [#tpu.dimension_semantics<core_parallel>, #tpu.dimension_semantics<subcore_parallel>], iteration_bounds = array<i64: 2, 16>, scalar_prefetch = 0 : i64, scratch_operands = 6 : i64, tpu.core_type = #tpu.core_type<sc_vector_subcore>, window_params = [{transform_indices = #map}, {transform_indices = #map1}, {transform_indices = #map}]} {
    %mul3A = arith.constant 2 : i32
    %mul3A_0 = arith.muli %arg1, %mul3A : i32
    %add3A = arith.addi %mul3A_0, %arg0 : i32
    %mul3A_1 = arith.constant 3328 : i32
    %mul3A_2 = arith.muli %add3A, %mul3A_1 : i32
    "tpu.region"() ({
      %run_scoped3A = tpu.sem_alloc : memref<!tpu.dma_semaphore, #tpu.memory_space<semaphore_mem>>
      %dma_start3A_15 = tpu.memref_slice %arg3[%mul3A_2] : memref<106496xi32, #tpu.memory_space<hbm>> -> memref<416xi32, #tpu.memory_space<hbm>>
      %dma_start3A_16 = tpu.memref_slice %arg3[%mul3A_2] : memref<106496xi32, #tpu.memory_space<hbm>> -> memref<416xi32, #tpu.memory_space<hbm>>
      tpu.enqueue_dma source(%dma_start3A_16 : memref<416xi32, #tpu.memory_space<hbm>>) target(%arg5 : memref<416xi32, #tpu.memory_space<vmem>>) target_semaphore(%run_scoped3A : memref<!tpu.dma_semaphore, #tpu.memory_space<semaphore_mem>>)
      %dma_wait3A = tpu.memref_slice %arg3[%mul3A_2] : memref<106496xi32, #tpu.memory_space<hbm>> -> memref<416xi32, #tpu.memory_space<hbm>>
      %dma_wait3A_17 = tpu.memref_slice %arg3[%mul3A_2] : memref<106496xi32, #tpu.memory_space<hbm>> -> memref<416xi32, #tpu.memory_space<hbm>>
      tpu.wait_dma2 semaphore(%run_scoped3A : memref<!tpu.dma_semaphore, #tpu.memory_space<semaphore_mem>>) src(%dma_wait3A_17 : memref<416xi32, #tpu.memory_space<hbm>>) dst(%arg5 : memref<416xi32, #tpu.memory_space<vmem>>)
      tpu.yield
    }) : () -> ()
    %dma_start3A = arith.constant 0 : i32
    %dma_start3A_3 = arith.constant 0 : i32
    %dma_start3A_4 = tpu.memref_slice %arg2[%dma_start3A, %dma_start3A_3] : memref<500288x128xf32, #tpu.memory_space<hbm>> -> memref<500288x128xf32, #tpu.memory_space<hbm>>
    tpu.enqueue_indirect_dma source(%dma_start3A_4 : memref<500288x128xf32, #tpu.memory_space<hbm>>) target(%arg7 : memref<416x128xf32, #tpu.memory_space<vmem>>) offsets(%arg5 : memref<416xi32, #tpu.memory_space<vmem>>) semaphore(%arg9 : memref<!tpu.dma_semaphore, #tpu.memory_space<semaphore_mem>>)
    %add3A_5 = arith.constant 416 : i32
    %add3A_6 = arith.addi %mul3A_2, %add3A_5 : i32
    "tpu.region"() ({
      %run_scoped3A = tpu.sem_alloc : memref<!tpu.dma_semaphore, #tpu.memory_space<semaphore_mem>>
      %dma_start3A_15 = tpu.memref_slice %arg3[%add3A_6] : memref<106496xi32, #tpu.memory_space<hbm>> -> memref<416xi32, #tpu.memory_space<hbm>>
      %dma_start3A_16 = tpu.memref_slice %arg3[%add3A_6] : memref<106496xi32, #tpu.memory_space<hbm>> -> memref<416xi32, #tpu.memory_space<hbm>>
      tpu.enqueue_dma source(%dma_start3A_16 : memref<416xi32, #tpu.memory_space<hbm>>) target(%arg6 : memref<416xi32, #tpu.memory_space<vmem>>) target_semaphore(%run_scoped3A : memref<!tpu.dma_semaphore, #tpu.memory_space<semaphore_mem>>)
      %dma_wait3A = tpu.memref_slice %arg3[%add3A_6] : memref<106496xi32, #tpu.memory_space<hbm>> -> memref<416xi32, #tpu.memory_space<hbm>>
      %dma_wait3A_17 = tpu.memref_slice %arg3[%add3A_6] : memref<106496xi32, #tpu.memory_space<hbm>> -> memref<416xi32, #tpu.memory_space<hbm>>
      tpu.wait_dma2 semaphore(%run_scoped3A : memref<!tpu.dma_semaphore, #tpu.memory_space<semaphore_mem>>) src(%dma_wait3A_17 : memref<416xi32, #tpu.memory_space<hbm>>) dst(%arg6 : memref<416xi32, #tpu.memory_space<vmem>>)
      tpu.yield
    }) : () -> ()
    %dma_start3A_7 = arith.constant 0 : i32
    %dma_start3A_8 = arith.constant 0 : i32
    %dma_start3A_9 = tpu.memref_slice %arg2[%dma_start3A_7, %dma_start3A_8] : memref<500288x128xf32, #tpu.memory_space<hbm>> -> memref<500288x128xf32, #tpu.memory_space<hbm>>
    tpu.enqueue_indirect_dma source(%dma_start3A_9 : memref<500288x128xf32, #tpu.memory_space<hbm>>) target(%arg8 : memref<416x128xf32, #tpu.memory_space<vmem>>) offsets(%arg6 : memref<416xi32, #tpu.memory_space<vmem>>) semaphore(%arg10 : memref<!tpu.dma_semaphore, #tpu.memory_space<semaphore_mem>>)
    %scan3A = arith.constant 0 : i32
    %scan3A_10 = arith.constant 0 : i32
    %scan3A_11 = arith.constant 4 : i32
    %scan3A_12 = arith.addi %scan3A_10, %scan3A_11 : i32
    %scan3A_13 = arith.constant 1 : i32
    scf.for %scan3A_15 = %scan3A_10 to %scan3A_12 step %scan3A_13  : i32 {
      %mul3A_16 = arith.constant 2 : i32
      %mul3A_17 = arith.muli %mul3A_16, %scan3A_15 : i32
      %mul3A_18 = arith.constant 416 : i32
      %mul3A_19 = arith.muli %mul3A_17, %mul3A_18 : i32
      %add3A_20 = arith.addi %mul3A_2, %mul3A_19 : i32
      %dma_wait3A = arith.constant 0 : i32
      %dma_wait3A_21 = arith.constant 0 : i32
      %dma_wait3A_22 = tpu.memref_slice %arg2[%dma_wait3A, %dma_wait3A_21] : memref<500288x128xf32, #tpu.memory_space<hbm>> -> memref<500288x128xf32, #tpu.memory_space<hbm>>
      tpu.wait_indirect_dma semaphore(%arg9 : memref<!tpu.dma_semaphore, #tpu.memory_space<semaphore_mem>>) src(%dma_wait3A_22 : memref<500288x128xf32, #tpu.memory_space<hbm>>) dst(%arg7 : memref<416x128xf32, #tpu.memory_space<vmem>>)
      "tpu.region"() ({
        %run_scoped3A = tpu.sem_alloc : memref<!tpu.dma_semaphore, #tpu.memory_space<semaphore_mem>>
        %dma_start3A_39 = arith.constant 0 : i32
        %dma_start3A_40 = tpu.memref_slice %arg4[%add3A_20, %dma_start3A_39] : memref<106496x128xf32, #tpu.memory_space<hbm>> -> memref<416x128xf32, #tpu.memory_space<hbm>>
        %dma_start3A_41 = arith.constant 0 : i32
        %dma_start3A_42 = tpu.memref_slice %arg4[%add3A_20, %dma_start3A_41] : memref<106496x128xf32, #tpu.memory_space<hbm>> -> memref<416x128xf32, #tpu.memory_space<hbm>>
        tpu.enqueue_dma source(%arg7 : memref<416x128xf32, #tpu.memory_space<vmem>>) target(%dma_start3A_42 : memref<416x128xf32, #tpu.memory_space<hbm>>) target_semaphore(%run_scoped3A : memref<!tpu.dma_semaphore, #tpu.memory_space<semaphore_mem>>)
        %dma_wait3A_43 = arith.constant 0 : i32
        %dma_wait3A_44 = tpu.memref_slice %arg4[%add3A_20, %dma_wait3A_43] : memref<106496x128xf32, #tpu.memory_space<hbm>> -> memref<416x128xf32, #tpu.memory_space<hbm>>
        %dma_wait3A_45 = arith.constant 0 : i32
        %dma_wait3A_46 = tpu.memref_slice %arg4[%add3A_20, %dma_wait3A_45] : memref<106496x128xf32, #tpu.memory_space<hbm>> -> memref<416x128xf32, #tpu.memory_space<hbm>>
        tpu.wait_dma2 semaphore(%run_scoped3A : memref<!tpu.dma_semaphore, #tpu.memory_space<semaphore_mem>>) src(%arg7 : memref<416x128xf32, #tpu.memory_space<vmem>>) dst(%dma_wait3A_46 : memref<416x128xf32, #tpu.memory_space<hbm>>)
        tpu.yield
      }) : () -> ()
      %add3A_23 = arith.constant 1 : i32
      %add3A_24 = arith.addi %scan3A_15, %add3A_23 : i32
      %lt3A = arith.constant 4 : i32
      %lt3A_25 = arith.cmpi slt, %add3A_24, %lt3A : i32
      %convert_element_type3A = arith.extui %lt3A_25 : i1 to i32
      %cond3A = arith.constant 0 : i32
      %cond3A_26 = arith.cmpi ne, %convert_element_type3A, %cond3A : i32
      scf.if %cond3A_26 {
        %add3A_39 = arith.constant 832 : i32
        %add3A_40 = arith.addi %add3A_20, %add3A_39 : i32
        "tpu.region"() ({
          %run_scoped3A = tpu.sem_alloc : memref<!tpu.dma_semaphore, #tpu.memory_space<semaphore_mem>>
          %dma_start3A_44 = tpu.memref_slice %arg3[%add3A_40] : memref<106496xi32, #tpu.memory_space<hbm>> -> memref<416xi32, #tpu.memory_space<hbm>>
          %dma_start3A_45 = tpu.memref_slice %arg3[%add3A_40] : memref<106496xi32, #tpu.memory_space<hbm>> -> memref<416xi32, #tpu.memory_space<hbm>>
          tpu.enqueue_dma source(%dma_start3A_45 : memref<416xi32, #tpu.memory_space<hbm>>) target(%arg5 : memref<416xi32, #tpu.memory_space<vmem>>) target_semaphore(%run_scoped3A : memref<!tpu.dma_semaphore, #tpu.memory_space<semaphore_mem>>)
          %dma_wait3A_46 = tpu.memref_slice %arg3[%add3A_40] : memref<106496xi32, #tpu.memory_space<hbm>> -> memref<416xi32, #tpu.memory_space<hbm>>
          %dma_wait3A_47 = tpu.memref_slice %arg3[%add3A_40] : memref<106496xi32, #tpu.memory_space<hbm>> -> memref<416xi32, #tpu.memory_space<hbm>>
          tpu.wait_dma2 semaphore(%run_scoped3A : memref<!tpu.dma_semaphore, #tpu.memory_space<semaphore_mem>>) src(%dma_wait3A_47 : memref<416xi32, #tpu.memory_space<hbm>>) dst(%arg5 : memref<416xi32, #tpu.memory_space<vmem>>)
          tpu.yield
        }) : () -> ()
        %dma_start3A_41 = arith.constant 0 : i32
        %dma_start3A_42 = arith.constant 0 : i32
        %dma_start3A_43 = tpu.memref_slice %arg2[%dma_start3A_41, %dma_start3A_42] : memref<500288x128xf32, #tpu.memory_space<hbm>> -> memref<500288x128xf32, #tpu.memory_space<hbm>>
        tpu.enqueue_indirect_dma source(%dma_start3A_43 : memref<500288x128xf32, #tpu.memory_space<hbm>>) target(%arg7 : memref<416x128xf32, #tpu.memory_space<vmem>>) offsets(%arg5 : memref<416xi32, #tpu.memory_space<vmem>>) semaphore(%arg9 : memref<!tpu.dma_semaphore, #tpu.memory_space<semaphore_mem>>)
      } else {
      }
      %dma_wait3A_27 = arith.constant 0 : i32
      %dma_wait3A_28 = arith.constant 0 : i32
      %dma_wait3A_29 = tpu.memref_slice %arg2[%dma_wait3A_27, %dma_wait3A_28] : memref<500288x128xf32, #tpu.memory_space<hbm>> -> memref<500288x128xf32, #tpu.memory_space<hbm>>
      tpu.wait_indirect_dma semaphore(%arg10 : memref<!tpu.dma_semaphore, #tpu.memory_space<semaphore_mem>>) src(%dma_wait3A_29 : memref<500288x128xf32, #tpu.memory_space<hbm>>) dst(%arg8 : memref<416x128xf32, #tpu.memory_space<vmem>>)
      %add3A_30 = arith.constant 416 : i32
      %add3A_31 = arith.addi %add3A_20, %add3A_30 : i32
      "tpu.region"() ({
        %run_scoped3A = tpu.sem_alloc : memref<!tpu.dma_semaphore, #tpu.memory_space<semaphore_mem>>
        %dma_start3A_39 = arith.constant 0 : i32
        %dma_start3A_40 = tpu.memref_slice %arg4[%add3A_31, %dma_start3A_39] : memref<106496x128xf32, #tpu.memory_space<hbm>> -> memref<416x128xf32, #tpu.memory_space<hbm>>
        %dma_start3A_41 = arith.constant 0 : i32
        %dma_start3A_42 = tpu.memref_slice %arg4[%add3A_31, %dma_start3A_41] : memref<106496x128xf32, #tpu.memory_space<hbm>> -> memref<416x128xf32, #tpu.memory_space<hbm>>
        tpu.enqueue_dma source(%arg8 : memref<416x128xf32, #tpu.memory_space<vmem>>) target(%dma_start3A_42 : memref<416x128xf32, #tpu.memory_space<hbm>>) target_semaphore(%run_scoped3A : memref<!tpu.dma_semaphore, #tpu.memory_space<semaphore_mem>>)
        %dma_wait3A_43 = arith.constant 0 : i32
        %dma_wait3A_44 = tpu.memref_slice %arg4[%add3A_31, %dma_wait3A_43] : memref<106496x128xf32, #tpu.memory_space<hbm>> -> memref<416x128xf32, #tpu.memory_space<hbm>>
        %dma_wait3A_45 = arith.constant 0 : i32
        %dma_wait3A_46 = tpu.memref_slice %arg4[%add3A_31, %dma_wait3A_45] : memref<106496x128xf32, #tpu.memory_space<hbm>> -> memref<416x128xf32, #tpu.memory_space<hbm>>
        tpu.wait_dma2 semaphore(%run_scoped3A : memref<!tpu.dma_semaphore, #tpu.memory_space<semaphore_mem>>) src(%arg8 : memref<416x128xf32, #tpu.memory_space<vmem>>) dst(%dma_wait3A_46 : memref<416x128xf32, #tpu.memory_space<hbm>>)
        tpu.yield
      }) : () -> ()
      %add3A_32 = arith.constant 1 : i32
      %add3A_33 = arith.addi %scan3A_15, %add3A_32 : i32
      %lt3A_34 = arith.constant 4 : i32
      %lt3A_35 = arith.cmpi slt, %add3A_33, %lt3A_34 : i32
      %convert_element_type3A_36 = arith.extui %lt3A_35 : i1 to i32
      %cond3A_37 = arith.constant 0 : i32
      %cond3A_38 = arith.cmpi ne, %convert_element_type3A_36, %cond3A_37 : i32
      scf.if %cond3A_38 {
        %add3A_39 = arith.constant 1248 : i32
        %add3A_40 = arith.addi %add3A_20, %add3A_39 : i32
        "tpu.region"() ({
          %run_scoped3A = tpu.sem_alloc : memref<!tpu.dma_semaphore, #tpu.memory_space<semaphore_mem>>
          %dma_start3A_44 = tpu.memref_slice %arg3[%add3A_40] : memref<106496xi32, #tpu.memory_space<hbm>> -> memref<416xi32, #tpu.memory_space<hbm>>
          %dma_start3A_45 = tpu.memref_slice %arg3[%add3A_40] : memref<106496xi32, #tpu.memory_space<hbm>> -> memref<416xi32, #tpu.memory_space<hbm>>
          tpu.enqueue_dma source(%dma_start3A_45 : memref<416xi32, #tpu.memory_space<hbm>>) target(%arg6 : memref<416xi32, #tpu.memory_space<vmem>>) target_semaphore(%run_scoped3A : memref<!tpu.dma_semaphore, #tpu.memory_space<semaphore_mem>>)
          %dma_wait3A_46 = tpu.memref_slice %arg3[%add3A_40] : memref<106496xi32, #tpu.memory_space<hbm>> -> memref<416xi32, #tpu.memory_space<hbm>>
          %dma_wait3A_47 = tpu.memref_slice %arg3[%add3A_40] : memref<106496xi32, #tpu.memory_space<hbm>> -> memref<416xi32, #tpu.memory_space<hbm>>
          tpu.wait_dma2 semaphore(%run_scoped3A : memref<!tpu.dma_semaphore, #tpu.memory_space<semaphore_mem>>) src(%dma_wait3A_47 : memref<416xi32, #tpu.memory_space<hbm>>) dst(%arg6 : memref<416xi32, #tpu.memory_space<vmem>>)
          tpu.yield
        }) : () -> ()
        %dma_start3A_41 = arith.constant 0 : i32
        %dma_start3A_42 = arith.constant 0 : i32
        %dma_start3A_43 = tpu.memref_slice %arg2[%dma_start3A_41, %dma_start3A_42] : memref<500288x128xf32, #tpu.memory_space<hbm>> -> memref<500288x128xf32, #tpu.memory_space<hbm>>
        tpu.enqueue_indirect_dma source(%dma_start3A_43 : memref<500288x128xf32, #tpu.memory_space<hbm>>) target(%arg8 : memref<416x128xf32, #tpu.memory_space<vmem>>) offsets(%arg6 : memref<416xi32, #tpu.memory_space<vmem>>) semaphore(%arg10 : memref<!tpu.dma_semaphore, #tpu.memory_space<semaphore_mem>>)
      } else {
      }
    }
    %scan3A_14 = arith.constant 4 : i32
    return
  }
}

#map = affine_map<(d0, d1) -> (0, 0)>
#map1 = affine_map<(d0, d1) -> (0)>
module attributes {stable_mosaic.version = 14 : i64} {
  func.func @sc_gather(%arg0: i32, %arg1: i32, %arg2: memref<500288x128xf32, #tpu.memory_space<hbm>>, %arg3: memref<106496xi32, #tpu.memory_space<hbm>>, %arg4: memref<106496x128xf32, #tpu.memory_space<hbm>>, %arg5: memref<416xi32, #tpu.memory_space<vmem>>, %arg6: memref<416xi32, #tpu.memory_space<vmem>>, %arg7: memref<416x128xf32, #tpu.memory_space<vmem>>, %arg8: memref<416x128xf32, #tpu.memory_space<vmem>>, %arg9: memref<!tpu.dma_semaphore, #tpu.memory_space<semaphore_mem>>, %arg10: memref<!tpu.dma_semaphore, #tpu.memory_space<semaphore_mem>>) attributes {dimension_semantics = [#tpu.dimension_semantics<core_parallel>, #tpu.dimension_semantics<subcore_parallel>], iteration_bounds = array<i64: 2, 16>, scalar_prefetch = 0 : i64, scratch_operands = 6 : i64, tpu.core_type = #tpu.core_type<sc_vector_subcore>, window_params = [{transform_indices = #map}, {transform_indices = #map1}, {transform_indices = #map}]} {
    %mul3A = arith.constant 2 : i32
    %mul3A_0 = arith.muli %arg1, %mul3A : i32
    %add3A = arith.addi %mul3A_0, %arg0 : i32
    %mul3A_1 = arith.constant 3328 : i32
    %mul3A_2 = arith.muli %add3A, %mul3A_1 : i32
    "tpu.region"() ({
      %run_scoped3A = tpu.sem_alloc : memref<!tpu.dma_semaphore, #tpu.memory_space<semaphore_mem>>
      %dma_start3A_15 = tpu.memref_slice %arg3[%mul3A_2] : memref<106496xi32, #tpu.memory_space<hbm>> -> memref<416xi32, #tpu.memory_space<hbm>>
      %dma_start3A_16 = tpu.memref_slice %arg3[%mul3A_2] : memref<106496xi32, #tpu.memory_space<hbm>> -> memref<416xi32, #tpu.memory_space<hbm>>
      tpu.enqueue_dma source(%dma_start3A_16 : memref<416xi32, #tpu.memory_space<hbm>>) target(%arg5 : memref<416xi32, #tpu.memory_space<vmem>>) target_semaphore(%run_scoped3A : memref<!tpu.dma_semaphore, #tpu.memory_space<semaphore_mem>>)
      %dma_wait3A = tpu.memref_slice %arg3[%mul3A_2] : memref<106496xi32, #tpu.memory_space<hbm>> -> memref<416xi32, #tpu.memory_space<hbm>>
      %dma_wait3A_17 = tpu.memref_slice %arg3[%mul3A_2] : memref<106496xi32, #tpu.memory_space<hbm>> -> memref<416xi32, #tpu.memory_space<hbm>>
      tpu.wait_dma2 semaphore(%run_scoped3A : memref<!tpu.dma_semaphore, #tpu.memory_space<semaphore_mem>>) src(%dma_wait3A_17 : memref<416xi32, #tpu.memory_space<hbm>>) dst(%arg5 : memref<416xi32, #tpu.memory_space<vmem>>)
      tpu.yield
    }) : () -> ()
    %dma_start3A = arith.constant 0 : i32
    %dma_start3A_3 = arith.constant 0 : i32
    %dma_start3A_4 = tpu.memref_slice %arg2[%dma_start3A, %dma_start3A_3] : memref<500288x128xf32, #tpu.memory_space<hbm>> -> memref<500288x128xf32, #tpu.memory_space<hbm>>
    tpu.enqueue_indirect_dma source(%dma_start3A_4 : memref<500288x128xf32, #tpu.memory_space<hbm>>) target(%arg7 : memref<416x128xf32, #tpu.memory_space<vmem>>) offsets(%arg5 : memref<416xi32, #tpu.memory_space<vmem>>) semaphore(%arg9 : memref<!tpu.dma_semaphore, #tpu.memory_space<semaphore_mem>>)
    %add3A_5 = arith.constant 416 : i32
    %add3A_6 = arith.addi %mul3A_2, %add3A_5 : i32
    "tpu.region"() ({
      %run_scoped3A = tpu.sem_alloc : memref<!tpu.dma_semaphore, #tpu.memory_space<semaphore_mem>>
      %dma_start3A_15 = tpu.memref_slice %arg3[%add3A_6] : memref<106496xi32, #tpu.memory_space<hbm>> -> memref<416xi32, #tpu.memory_space<hbm>>
      %dma_start3A_16 = tpu.memref_slice %arg3[%add3A_6] : memref<106496xi32, #tpu.memory_space<hbm>> -> memref<416xi32, #tpu.memory_space<hbm>>
      tpu.enqueue_dma source(%dma_start3A_16 : memref<416xi32, #tpu.memory_space<hbm>>) target(%arg6 : memref<416xi32, #tpu.memory_space<vmem>>) target_semaphore(%run_scoped3A : memref<!tpu.dma_semaphore, #tpu.memory_space<semaphore_mem>>)
      %dma_wait3A = tpu.memref_slice %arg3[%add3A_6] : memref<106496xi32, #tpu.memory_space<hbm>> -> memref<416xi32, #tpu.memory_space<hbm>>
      %dma_wait3A_17 = tpu.memref_slice %arg3[%add3A_6] : memref<106496xi32, #tpu.memory_space<hbm>> -> memref<416xi32, #tpu.memory_space<hbm>>
      tpu.wait_dma2 semaphore(%run_scoped3A : memref<!tpu.dma_semaphore, #tpu.memory_space<semaphore_mem>>) src(%dma_wait3A_17 : memref<416xi32, #tpu.memory_space<hbm>>) dst(%arg6 : memref<416xi32, #tpu.memory_space<vmem>>)
      tpu.yield
    }) : () -> ()
    %dma_start3A_7 = arith.constant 0 : i32
    %dma_start3A_8 = arith.constant 0 : i32
    %dma_start3A_9 = tpu.memref_slice %arg2[%dma_start3A_7, %dma_start3A_8] : memref<500288x128xf32, #tpu.memory_space<hbm>> -> memref<500288x128xf32, #tpu.memory_space<hbm>>
    tpu.enqueue_indirect_dma source(%dma_start3A_9 : memref<500288x128xf32, #tpu.memory_space<hbm>>) target(%arg8 : memref<416x128xf32, #tpu.memory_space<vmem>>) offsets(%arg6 : memref<416xi32, #tpu.memory_space<vmem>>) semaphore(%arg10 : memref<!tpu.dma_semaphore, #tpu.memory_space<semaphore_mem>>)
    %scan3A = arith.constant 0 : i32
    %scan3A_10 = arith.constant 0 : i32
    %scan3A_11 = arith.constant 4 : i32
    %scan3A_12 = arith.addi %scan3A_10, %scan3A_11 : i32
    %scan3A_13 = arith.constant 1 : i32
    scf.for %scan3A_15 = %scan3A_10 to %scan3A_12 step %scan3A_13  : i32 {
      %mul3A_16 = arith.constant 2 : i32
      %mul3A_17 = arith.muli %mul3A_16, %scan3A_15 : i32
      %mul3A_18 = arith.constant 416 : i32
      %mul3A_19 = arith.muli %mul3A_17, %mul3A_18 : i32
      %add3A_20 = arith.addi %mul3A_2, %mul3A_19 : i32
      %dma_wait3A = arith.constant 0 : i32
      %dma_wait3A_21 = arith.constant 0 : i32
      %dma_wait3A_22 = tpu.memref_slice %arg2[%dma_wait3A, %dma_wait3A_21] : memref<500288x128xf32, #tpu.memory_space<hbm>> -> memref<500288x128xf32, #tpu.memory_space<hbm>>
      tpu.wait_indirect_dma semaphore(%arg9 : memref<!tpu.dma_semaphore, #tpu.memory_space<semaphore_mem>>) src(%dma_wait3A_22 : memref<500288x128xf32, #tpu.memory_space<hbm>>) dst(%arg7 : memref<416x128xf32, #tpu.memory_space<vmem>>)
      "tpu.region"() ({
        %run_scoped3A = tpu.sem_alloc : memref<!tpu.dma_semaphore, #tpu.memory_space<semaphore_mem>>
        %dma_start3A_39 = arith.constant 0 : i32
        %dma_start3A_40 = tpu.memref_slice %arg4[%add3A_20, %dma_start3A_39] : memref<106496x128xf32, #tpu.memory_space<hbm>> -> memref<416x128xf32, #tpu.memory_space<hbm>>
        %dma_start3A_41 = arith.constant 0 : i32
        %dma_start3A_42 = tpu.memref_slice %arg4[%add3A_20, %dma_start3A_41] : memref<106496x128xf32, #tpu.memory_space<hbm>> -> memref<416x128xf32, #tpu.memory_space<hbm>>
        tpu.enqueue_dma source(%arg7 : memref<416x128xf32, #tpu.memory_space<vmem>>) target(%dma_start3A_42 : memref<416x128xf32, #tpu.memory_space<hbm>>) target_semaphore(%run_scoped3A : memref<!tpu.dma_semaphore, #tpu.memory_space<semaphore_mem>>)
        %dma_wait3A_43 = arith.constant 0 : i32
        %dma_wait3A_44 = tpu.memref_slice %arg4[%add3A_20, %dma_wait3A_43] : memref<106496x128xf32, #tpu.memory_space<hbm>> -> memref<416x128xf32, #tpu.memory_space<hbm>>
        %dma_wait3A_45 = arith.constant 0 : i32
        %dma_wait3A_46 = tpu.memref_slice %arg4[%add3A_20, %dma_wait3A_45] : memref<106496x128xf32, #tpu.memory_space<hbm>> -> memref<416x128xf32, #tpu.memory_space<hbm>>
        tpu.wait_dma2 semaphore(%run_scoped3A : memref<!tpu.dma_semaphore, #tpu.memory_space<semaphore_mem>>) src(%arg7 : memref<416x128xf32, #tpu.memory_space<vmem>>) dst(%dma_wait3A_46 : memref<416x128xf32, #tpu.memory_space<hbm>>)
        tpu.yield
      }) : () -> ()
      %add3A_23 = arith.constant 1 : i32
      %add3A_24 = arith.addi %scan3A_15, %add3A_23 : i32
      %lt3A = arith.constant 4 : i32
      %lt3A_25 = arith.cmpi slt, %add3A_24, %lt3A : i32
      %convert_element_type3A = arith.extui %lt3A_25 : i1 to i32
      %cond3A = arith.constant 0 : i32
      %cond3A_26 = arith.cmpi ne, %convert_element_type3A, %cond3A : i32
      scf.if %cond3A_26 {
        %add3A_39 = arith.constant 832 : i32
        %add3A_40 = arith.addi %add3A_20, %add3A_39 : i32
        "tpu.region"() ({
          %run_scoped3A = tpu.sem_alloc : memref<!tpu.dma_semaphore, #tpu.memory_space<semaphore_mem>>
          %dma_start3A_44 = tpu.memref_slice %arg3[%add3A_40] : memref<106496xi32, #tpu.memory_space<hbm>> -> memref<416xi32, #tpu.memory_space<hbm>>
          %dma_start3A_45 = tpu.memref_slice %arg3[%add3A_40] : memref<106496xi32, #tpu.memory_space<hbm>> -> memref<416xi32, #tpu.memory_space<hbm>>
          tpu.enqueue_dma source(%dma_start3A_45 : memref<416xi32, #tpu.memory_space<hbm>>) target(%arg5 : memref<416xi32, #tpu.memory_space<vmem>>) target_semaphore(%run_scoped3A : memref<!tpu.dma_semaphore, #tpu.memory_space<semaphore_mem>>)
          %dma_wait3A_46 = tpu.memref_slice %arg3[%add3A_40] : memref<106496xi32, #tpu.memory_space<hbm>> -> memref<416xi32, #tpu.memory_space<hbm>>
          %dma_wait3A_47 = tpu.memref_slice %arg3[%add3A_40] : memref<106496xi32, #tpu.memory_space<hbm>> -> memref<416xi32, #tpu.memory_space<hbm>>
          tpu.wait_dma2 semaphore(%run_scoped3A : memref<!tpu.dma_semaphore, #tpu.memory_space<semaphore_mem>>) src(%dma_wait3A_47 : memref<416xi32, #tpu.memory_space<hbm>>) dst(%arg5 : memref<416xi32, #tpu.memory_space<vmem>>)
          tpu.yield
        }) : () -> ()
        %dma_start3A_41 = arith.constant 0 : i32
        %dma_start3A_42 = arith.constant 0 : i32
        %dma_start3A_43 = tpu.memref_slice %arg2[%dma_start3A_41, %dma_start3A_42] : memref<500288x128xf32, #tpu.memory_space<hbm>> -> memref<500288x128xf32, #tpu.memory_space<hbm>>
        tpu.enqueue_indirect_dma source(%dma_start3A_43 : memref<500288x128xf32, #tpu.memory_space<hbm>>) target(%arg7 : memref<416x128xf32, #tpu.memory_space<vmem>>) offsets(%arg5 : memref<416xi32, #tpu.memory_space<vmem>>) semaphore(%arg9 : memref<!tpu.dma_semaphore, #tpu.memory_space<semaphore_mem>>)
      } else {
      }
      %dma_wait3A_27 = arith.constant 0 : i32
      %dma_wait3A_28 = arith.constant 0 : i32
      %dma_wait3A_29 = tpu.memref_slice %arg2[%dma_wait3A_27, %dma_wait3A_28] : memref<500288x128xf32, #tpu.memory_space<hbm>> -> memref<500288x128xf32, #tpu.memory_space<hbm>>
      tpu.wait_indirect_dma semaphore(%arg10 : memref<!tpu.dma_semaphore, #tpu.memory_space<semaphore_mem>>) src(%dma_wait3A_29 : memref<500288x128xf32, #tpu.memory_space<hbm>>) dst(%arg8 : memref<416x128xf32, #tpu.memory_space<vmem>>)
      %add3A_30 = arith.constant 416 : i32
      %add3A_31 = arith.addi %add3A_20, %add3A_30 : i32
      "tpu.region"() ({
        %run_scoped3A = tpu.sem_alloc : memref<!tpu.dma_semaphore, #tpu.memory_space<semaphore_mem>>
        %dma_start3A_39 = arith.constant 0 : i32
        %dma_start3A_40 = tpu.memref_slice %arg4[%add3A_31, %dma_start3A_39] : memref<106496x128xf32, #tpu.memory_space<hbm>> -> memref<416x128xf32, #tpu.memory_space<hbm>>
        %dma_start3A_41 = arith.constant 0 : i32
        %dma_start3A_42 = tpu.memref_slice %arg4[%add3A_31, %dma_start3A_41] : memref<106496x128xf32, #tpu.memory_space<hbm>> -> memref<416x128xf32, #tpu.memory_space<hbm>>
        tpu.enqueue_dma source(%arg8 : memref<416x128xf32, #tpu.memory_space<vmem>>) target(%dma_start3A_42 : memref<416x128xf32, #tpu.memory_space<hbm>>) target_semaphore(%run_scoped3A : memref<!tpu.dma_semaphore, #tpu.memory_space<semaphore_mem>>)
        %dma_wait3A_43 = arith.constant 0 : i32
        %dma_wait3A_44 = tpu.memref_slice %arg4[%add3A_31, %dma_wait3A_43] : memref<106496x128xf32, #tpu.memory_space<hbm>> -> memref<416x128xf32, #tpu.memory_space<hbm>>
        %dma_wait3A_45 = arith.constant 0 : i32
        %dma_wait3A_46 = tpu.memref_slice %arg4[%add3A_31, %dma_wait3A_45] : memref<106496x128xf32, #tpu.memory_space<hbm>> -> memref<416x128xf32, #tpu.memory_space<hbm>>
        tpu.wait_dma2 semaphore(%run_scoped3A : memref<!tpu.dma_semaphore, #tpu.memory_space<semaphore_mem>>) src(%arg8 : memref<416x128xf32, #tpu.memory_space<vmem>>) dst(%dma_wait3A_46 : memref<416x128xf32, #tpu.memory_space<hbm>>)
        tpu.yield
      }) : () -> ()
      %add3A_32 = arith.constant 1 : i32
      %add3A_33 = arith.addi %scan3A_15, %add3A_32 : i32
      %lt3A_34 = arith.constant 4 : i32
      %lt3A_35 = arith.cmpi slt, %add3A_33, %lt3A_34 : i32
      %convert_element_type3A_36 = arith.extui %lt3A_35 : i1 to i32
      %cond3A_37 = arith.constant 0 : i32
      %cond3A_38 = arith.cmpi ne, %convert_element_type3A_36, %cond3A_37 : i32
      scf.if %cond3A_38 {
        %add3A_39 = arith.constant 1248 : i32
        %add3A_40 = arith.addi %add3A_20, %add3A_39 : i32
        "tpu.region"() ({
          %run_scoped3A = tpu.sem_alloc : memref<!tpu.dma_semaphore, #tpu.memory_space<semaphore_mem>>
          %dma_start3A_44 = tpu.memref_slice %arg3[%add3A_40] : memref<106496xi32, #tpu.memory_space<hbm>> -> memref<416xi32, #tpu.memory_space<hbm>>
          %dma_start3A_45 = tpu.memref_slice %arg3[%add3A_40] : memref<106496xi32, #tpu.memory_space<hbm>> -> memref<416xi32, #tpu.memory_space<hbm>>
          tpu.enqueue_dma source(%dma_start3A_45 : memref<416xi32, #tpu.memory_space<hbm>>) target(%arg6 : memref<416xi32, #tpu.memory_space<vmem>>) target_semaphore(%run_scoped3A : memref<!tpu.dma_semaphore, #tpu.memory_space<semaphore_mem>>)
          %dma_wait3A_46 = tpu.memref_slice %arg3[%add3A_40] : memref<106496xi32, #tpu.memory_space<hbm>> -> memref<416xi32, #tpu.memory_space<hbm>>
          %dma_wait3A_47 = tpu.memref_slice %arg3[%add3A_40] : memref<106496xi32, #tpu.memory_space<hbm>> -> memref<416xi32, #tpu.memory_space<hbm>>
          tpu.wait_dma2 semaphore(%run_scoped3A : memref<!tpu.dma_semaphore, #tpu.memory_space<semaphore_mem>>) src(%dma_wait3A_47 : memref<416xi32, #tpu.memory_space<hbm>>) dst(%arg6 : memref<416xi32, #tpu.memory_space<vmem>>)
          tpu.yield
        }) : () -> ()
        %dma_start3A_41 = arith.constant 0 : i32
        %dma_start3A_42 = arith.constant 0 : i32
        %dma_start3A_43 = tpu.memref_slice %arg2[%dma_start3A_41, %dma_start3A_42] : memref<500288x128xf32, #tpu.memory_space<hbm>> -> memref<500288x128xf32, #tpu.memory_space<hbm>>
        tpu.enqueue_indirect_dma source(%dma_start3A_43 : memref<500288x128xf32, #tpu.memory_space<hbm>>) target(%arg8 : memref<416x128xf32, #tpu.memory_space<vmem>>) offsets(%arg6 : memref<416xi32, #tpu.memory_space<vmem>>) semaphore(%arg10 : memref<!tpu.dma_semaphore, #tpu.memory_space<semaphore_mem>>)
      } else {
      }
    }
    %scan3A_14 = arith.constant 4 : i32
    return
  }
}

#map = affine_map<(d0, d1) -> (0, 0)>
#map1 = affine_map<(d0, d1) -> (0)>
module attributes {stable_mosaic.version = 14 : i64} {
  func.func @sc_gather(%arg0: i32, %arg1: i32, %arg2: memref<500288x128xf32, #tpu.memory_space<hbm>>, %arg3: memref<106496xi32, #tpu.memory_space<hbm>>, %arg4: memref<106496x128xf32, #tpu.memory_space<hbm>>, %arg5: memref<416xi32, #tpu.memory_space<vmem>>, %arg6: memref<416xi32, #tpu.memory_space<vmem>>, %arg7: memref<416x128xf32, #tpu.memory_space<vmem>>, %arg8: memref<416x128xf32, #tpu.memory_space<vmem>>, %arg9: memref<!tpu.dma_semaphore, #tpu.memory_space<semaphore_mem>>, %arg10: memref<!tpu.dma_semaphore, #tpu.memory_space<semaphore_mem>>) attributes {dimension_semantics = [#tpu.dimension_semantics<core_parallel>, #tpu.dimension_semantics<subcore_parallel>], iteration_bounds = array<i64: 2, 16>, scalar_prefetch = 0 : i64, scratch_operands = 6 : i64, tpu.core_type = #tpu.core_type<sc_vector_subcore>, window_params = [{transform_indices = #map}, {transform_indices = #map1}, {transform_indices = #map}]} {
    %mul3A = arith.constant 2 : i32
    %mul3A_0 = arith.muli %arg1, %mul3A : i32
    %add3A = arith.addi %mul3A_0, %arg0 : i32
    %mul3A_1 = arith.constant 3328 : i32
    %mul3A_2 = arith.muli %add3A, %mul3A_1 : i32
    "tpu.region"() ({
      %run_scoped3A = tpu.sem_alloc : memref<!tpu.dma_semaphore, #tpu.memory_space<semaphore_mem>>
      %dma_start3A_15 = tpu.memref_slice %arg3[%mul3A_2] : memref<106496xi32, #tpu.memory_space<hbm>> -> memref<416xi32, #tpu.memory_space<hbm>>
      %dma_start3A_16 = tpu.memref_slice %arg3[%mul3A_2] : memref<106496xi32, #tpu.memory_space<hbm>> -> memref<416xi32, #tpu.memory_space<hbm>>
      tpu.enqueue_dma source(%dma_start3A_16 : memref<416xi32, #tpu.memory_space<hbm>>) target(%arg5 : memref<416xi32, #tpu.memory_space<vmem>>) target_semaphore(%run_scoped3A : memref<!tpu.dma_semaphore, #tpu.memory_space<semaphore_mem>>)
      %dma_wait3A = tpu.memref_slice %arg3[%mul3A_2] : memref<106496xi32, #tpu.memory_space<hbm>> -> memref<416xi32, #tpu.memory_space<hbm>>
      %dma_wait3A_17 = tpu.memref_slice %arg3[%mul3A_2] : memref<106496xi32, #tpu.memory_space<hbm>> -> memref<416xi32, #tpu.memory_space<hbm>>
      tpu.wait_dma2 semaphore(%run_scoped3A : memref<!tpu.dma_semaphore, #tpu.memory_space<semaphore_mem>>) src(%dma_wait3A_17 : memref<416xi32, #tpu.memory_space<hbm>>) dst(%arg5 : memref<416xi32, #tpu.memory_space<vmem>>)
      tpu.yield
    }) : () -> ()
    %dma_start3A = arith.constant 0 : i32
    %dma_start3A_3 = arith.constant 0 : i32
    %dma_start3A_4 = tpu.memref_slice %arg2[%dma_start3A, %dma_start3A_3] : memref<500288x128xf32, #tpu.memory_space<hbm>> -> memref<500288x128xf32, #tpu.memory_space<hbm>>
    tpu.enqueue_indirect_dma source(%dma_start3A_4 : memref<500288x128xf32, #tpu.memory_space<hbm>>) target(%arg7 : memref<416x128xf32, #tpu.memory_space<vmem>>) offsets(%arg5 : memref<416xi32, #tpu.memory_space<vmem>>) semaphore(%arg9 : memref<!tpu.dma_semaphore, #tpu.memory_space<semaphore_mem>>)
    %add3A_5 = arith.constant 416 : i32
    %add3A_6 = arith.addi %mul3A_2, %add3A_5 : i32
    "tpu.region"() ({
      %run_scoped3A = tpu.sem_alloc : memref<!tpu.dma_semaphore, #tpu.memory_space<semaphore_mem>>
      %dma_start3A_15 = tpu.memref_slice %arg3[%add3A_6] : memref<106496xi32, #tpu.memory_space<hbm>> -> memref<416xi32, #tpu.memory_space<hbm>>
      %dma_start3A_16 = tpu.memref_slice %arg3[%add3A_6] : memref<106496xi32, #tpu.memory_space<hbm>> -> memref<416xi32, #tpu.memory_space<hbm>>
      tpu.enqueue_dma source(%dma_start3A_16 : memref<416xi32, #tpu.memory_space<hbm>>) target(%arg6 : memref<416xi32, #tpu.memory_space<vmem>>) target_semaphore(%run_scoped3A : memref<!tpu.dma_semaphore, #tpu.memory_space<semaphore_mem>>)
      %dma_wait3A = tpu.memref_slice %arg3[%add3A_6] : memref<106496xi32, #tpu.memory_space<hbm>> -> memref<416xi32, #tpu.memory_space<hbm>>
      %dma_wait3A_17 = tpu.memref_slice %arg3[%add3A_6] : memref<106496xi32, #tpu.memory_space<hbm>> -> memref<416xi32, #tpu.memory_space<hbm>>
      tpu.wait_dma2 semaphore(%run_scoped3A : memref<!tpu.dma_semaphore, #tpu.memory_space<semaphore_mem>>) src(%dma_wait3A_17 : memref<416xi32, #tpu.memory_space<hbm>>) dst(%arg6 : memref<416xi32, #tpu.memory_space<vmem>>)
      tpu.yield
    }) : () -> ()
    %dma_start3A_7 = arith.constant 0 : i32
    %dma_start3A_8 = arith.constant 0 : i32
    %dma_start3A_9 = tpu.memref_slice %arg2[%dma_start3A_7, %dma_start3A_8] : memref<500288x128xf32, #tpu.memory_space<hbm>> -> memref<500288x128xf32, #tpu.memory_space<hbm>>
    tpu.enqueue_indirect_dma source(%dma_start3A_9 : memref<500288x128xf32, #tpu.memory_space<hbm>>) target(%arg8 : memref<416x128xf32, #tpu.memory_space<vmem>>) offsets(%arg6 : memref<416xi32, #tpu.memory_space<vmem>>) semaphore(%arg10 : memref<!tpu.dma_semaphore, #tpu.memory_space<semaphore_mem>>)
    %scan3A = arith.constant 0 : i32
    %scan3A_10 = arith.constant 0 : i32
    %scan3A_11 = arith.constant 4 : i32
    %scan3A_12 = arith.addi %scan3A_10, %scan3A_11 : i32
    %scan3A_13 = arith.constant 1 : i32
    scf.for %scan3A_15 = %scan3A_10 to %scan3A_12 step %scan3A_13  : i32 {
      %mul3A_16 = arith.constant 2 : i32
      %mul3A_17 = arith.muli %mul3A_16, %scan3A_15 : i32
      %mul3A_18 = arith.constant 416 : i32
      %mul3A_19 = arith.muli %mul3A_17, %mul3A_18 : i32
      %add3A_20 = arith.addi %mul3A_2, %mul3A_19 : i32
      %dma_wait3A = arith.constant 0 : i32
      %dma_wait3A_21 = arith.constant 0 : i32
      %dma_wait3A_22 = tpu.memref_slice %arg2[%dma_wait3A, %dma_wait3A_21] : memref<500288x128xf32, #tpu.memory_space<hbm>> -> memref<500288x128xf32, #tpu.memory_space<hbm>>
      tpu.wait_indirect_dma semaphore(%arg9 : memref<!tpu.dma_semaphore, #tpu.memory_space<semaphore_mem>>) src(%dma_wait3A_22 : memref<500288x128xf32, #tpu.memory_space<hbm>>) dst(%arg7 : memref<416x128xf32, #tpu.memory_space<vmem>>)
      "tpu.region"() ({
        %run_scoped3A = tpu.sem_alloc : memref<!tpu.dma_semaphore, #tpu.memory_space<semaphore_mem>>
        %dma_start3A_39 = arith.constant 0 : i32
        %dma_start3A_40 = tpu.memref_slice %arg4[%add3A_20, %dma_start3A_39] : memref<106496x128xf32, #tpu.memory_space<hbm>> -> memref<416x128xf32, #tpu.memory_space<hbm>>
        %dma_start3A_41 = arith.constant 0 : i32
        %dma_start3A_42 = tpu.memref_slice %arg4[%add3A_20, %dma_start3A_41] : memref<106496x128xf32, #tpu.memory_space<hbm>> -> memref<416x128xf32, #tpu.memory_space<hbm>>
        tpu.enqueue_dma source(%arg7 : memref<416x128xf32, #tpu.memory_space<vmem>>) target(%dma_start3A_42 : memref<416x128xf32, #tpu.memory_space<hbm>>) target_semaphore(%run_scoped3A : memref<!tpu.dma_semaphore, #tpu.memory_space<semaphore_mem>>)
        %dma_wait3A_43 = arith.constant 0 : i32
        %dma_wait3A_44 = tpu.memref_slice %arg4[%add3A_20, %dma_wait3A_43] : memref<106496x128xf32, #tpu.memory_space<hbm>> -> memref<416x128xf32, #tpu.memory_space<hbm>>
        %dma_wait3A_45 = arith.constant 0 : i32
        %dma_wait3A_46 = tpu.memref_slice %arg4[%add3A_20, %dma_wait3A_45] : memref<106496x128xf32, #tpu.memory_space<hbm>> -> memref<416x128xf32, #tpu.memory_space<hbm>>
        tpu.wait_dma2 semaphore(%run_scoped3A : memref<!tpu.dma_semaphore, #tpu.memory_space<semaphore_mem>>) src(%arg7 : memref<416x128xf32, #tpu.memory_space<vmem>>) dst(%dma_wait3A_46 : memref<416x128xf32, #tpu.memory_space<hbm>>)
        tpu.yield
      }) : () -> ()
      %add3A_23 = arith.constant 1 : i32
      %add3A_24 = arith.addi %scan3A_15, %add3A_23 : i32
      %lt3A = arith.constant 4 : i32
      %lt3A_25 = arith.cmpi slt, %add3A_24, %lt3A : i32
      %convert_element_type3A = arith.extui %lt3A_25 : i1 to i32
      %cond3A = arith.constant 0 : i32
      %cond3A_26 = arith.cmpi ne, %convert_element_type3A, %cond3A : i32
      scf.if %cond3A_26 {
        %add3A_39 = arith.constant 832 : i32
        %add3A_40 = arith.addi %add3A_20, %add3A_39 : i32
        "tpu.region"() ({
          %run_scoped3A = tpu.sem_alloc : memref<!tpu.dma_semaphore, #tpu.memory_space<semaphore_mem>>
          %dma_start3A_44 = tpu.memref_slice %arg3[%add3A_40] : memref<106496xi32, #tpu.memory_space<hbm>> -> memref<416xi32, #tpu.memory_space<hbm>>
          %dma_start3A_45 = tpu.memref_slice %arg3[%add3A_40] : memref<106496xi32, #tpu.memory_space<hbm>> -> memref<416xi32, #tpu.memory_space<hbm>>
          tpu.enqueue_dma source(%dma_start3A_45 : memref<416xi32, #tpu.memory_space<hbm>>) target(%arg5 : memref<416xi32, #tpu.memory_space<vmem>>) target_semaphore(%run_scoped3A : memref<!tpu.dma_semaphore, #tpu.memory_space<semaphore_mem>>)
          %dma_wait3A_46 = tpu.memref_slice %arg3[%add3A_40] : memref<106496xi32, #tpu.memory_space<hbm>> -> memref<416xi32, #tpu.memory_space<hbm>>
          %dma_wait3A_47 = tpu.memref_slice %arg3[%add3A_40] : memref<106496xi32, #tpu.memory_space<hbm>> -> memref<416xi32, #tpu.memory_space<hbm>>
          tpu.wait_dma2 semaphore(%run_scoped3A : memref<!tpu.dma_semaphore, #tpu.memory_space<semaphore_mem>>) src(%dma_wait3A_47 : memref<416xi32, #tpu.memory_space<hbm>>) dst(%arg5 : memref<416xi32, #tpu.memory_space<vmem>>)
          tpu.yield
        }) : () -> ()
        %dma_start3A_41 = arith.constant 0 : i32
        %dma_start3A_42 = arith.constant 0 : i32
        %dma_start3A_43 = tpu.memref_slice %arg2[%dma_start3A_41, %dma_start3A_42] : memref<500288x128xf32, #tpu.memory_space<hbm>> -> memref<500288x128xf32, #tpu.memory_space<hbm>>
        tpu.enqueue_indirect_dma source(%dma_start3A_43 : memref<500288x128xf32, #tpu.memory_space<hbm>>) target(%arg7 : memref<416x128xf32, #tpu.memory_space<vmem>>) offsets(%arg5 : memref<416xi32, #tpu.memory_space<vmem>>) semaphore(%arg9 : memref<!tpu.dma_semaphore, #tpu.memory_space<semaphore_mem>>)
      } else {
      }
      %dma_wait3A_27 = arith.constant 0 : i32
      %dma_wait3A_28 = arith.constant 0 : i32
      %dma_wait3A_29 = tpu.memref_slice %arg2[%dma_wait3A_27, %dma_wait3A_28] : memref<500288x128xf32, #tpu.memory_space<hbm>> -> memref<500288x128xf32, #tpu.memory_space<hbm>>
      tpu.wait_indirect_dma semaphore(%arg10 : memref<!tpu.dma_semaphore, #tpu.memory_space<semaphore_mem>>) src(%dma_wait3A_29 : memref<500288x128xf32, #tpu.memory_space<hbm>>) dst(%arg8 : memref<416x128xf32, #tpu.memory_space<vmem>>)
      %add3A_30 = arith.constant 416 : i32
      %add3A_31 = arith.addi %add3A_20, %add3A_30 : i32
      "tpu.region"() ({
        %run_scoped3A = tpu.sem_alloc : memref<!tpu.dma_semaphore, #tpu.memory_space<semaphore_mem>>
        %dma_start3A_39 = arith.constant 0 : i32
        %dma_start3A_40 = tpu.memref_slice %arg4[%add3A_31, %dma_start3A_39] : memref<106496x128xf32, #tpu.memory_space<hbm>> -> memref<416x128xf32, #tpu.memory_space<hbm>>
        %dma_start3A_41 = arith.constant 0 : i32
        %dma_start3A_42 = tpu.memref_slice %arg4[%add3A_31, %dma_start3A_41] : memref<106496x128xf32, #tpu.memory_space<hbm>> -> memref<416x128xf32, #tpu.memory_space<hbm>>
        tpu.enqueue_dma source(%arg8 : memref<416x128xf32, #tpu.memory_space<vmem>>) target(%dma_start3A_42 : memref<416x128xf32, #tpu.memory_space<hbm>>) target_semaphore(%run_scoped3A : memref<!tpu.dma_semaphore, #tpu.memory_space<semaphore_mem>>)
        %dma_wait3A_43 = arith.constant 0 : i32
        %dma_wait3A_44 = tpu.memref_slice %arg4[%add3A_31, %dma_wait3A_43] : memref<106496x128xf32, #tpu.memory_space<hbm>> -> memref<416x128xf32, #tpu.memory_space<hbm>>
        %dma_wait3A_45 = arith.constant 0 : i32
        %dma_wait3A_46 = tpu.memref_slice %arg4[%add3A_31, %dma_wait3A_45] : memref<106496x128xf32, #tpu.memory_space<hbm>> -> memref<416x128xf32, #tpu.memory_space<hbm>>
        tpu.wait_dma2 semaphore(%run_scoped3A : memref<!tpu.dma_semaphore, #tpu.memory_space<semaphore_mem>>) src(%arg8 : memref<416x128xf32, #tpu.memory_space<vmem>>) dst(%dma_wait3A_46 : memref<416x128xf32, #tpu.memory_space<hbm>>)
        tpu.yield
      }) : () -> ()
      %add3A_32 = arith.constant 1 : i32
      %add3A_33 = arith.addi %scan3A_15, %add3A_32 : i32
      %lt3A_34 = arith.constant 4 : i32
      %lt3A_35 = arith.cmpi slt, %add3A_33, %lt3A_34 : i32
      %convert_element_type3A_36 = arith.extui %lt3A_35 : i1 to i32
      %cond3A_37 = arith.constant 0 : i32
      %cond3A_38 = arith.cmpi ne, %convert_element_type3A_36, %cond3A_37 : i32
      scf.if %cond3A_38 {
        %add3A_39 = arith.constant 1248 : i32
        %add3A_40 = arith.addi %add3A_20, %add3A_39 : i32
        "tpu.region"() ({
          %run_scoped3A = tpu.sem_alloc : memref<!tpu.dma_semaphore, #tpu.memory_space<semaphore_mem>>
          %dma_start3A_44 = tpu.memref_slice %arg3[%add3A_40] : memref<106496xi32, #tpu.memory_space<hbm>> -> memref<416xi32, #tpu.memory_space<hbm>>
          %dma_start3A_45 = tpu.memref_slice %arg3[%add3A_40] : memref<106496xi32, #tpu.memory_space<hbm>> -> memref<416xi32, #tpu.memory_space<hbm>>
          tpu.enqueue_dma source(%dma_start3A_45 : memref<416xi32, #tpu.memory_space<hbm>>) target(%arg6 : memref<416xi32, #tpu.memory_space<vmem>>) target_semaphore(%run_scoped3A : memref<!tpu.dma_semaphore, #tpu.memory_space<semaphore_mem>>)
          %dma_wait3A_46 = tpu.memref_slice %arg3[%add3A_40] : memref<106496xi32, #tpu.memory_space<hbm>> -> memref<416xi32, #tpu.memory_space<hbm>>
          %dma_wait3A_47 = tpu.memref_slice %arg3[%add3A_40] : memref<106496xi32, #tpu.memory_space<hbm>> -> memref<416xi32, #tpu.memory_space<hbm>>
          tpu.wait_dma2 semaphore(%run_scoped3A : memref<!tpu.dma_semaphore, #tpu.memory_space<semaphore_mem>>) src(%dma_wait3A_47 : memref<416xi32, #tpu.memory_space<hbm>>) dst(%arg6 : memref<416xi32, #tpu.memory_space<vmem>>)
          tpu.yield
        }) : () -> ()
        %dma_start3A_41 = arith.constant 0 : i32
        %dma_start3A_42 = arith.constant 0 : i32
        %dma_start3A_43 = tpu.memref_slice %arg2[%dma_start3A_41, %dma_start3A_42] : memref<500288x128xf32, #tpu.memory_space<hbm>> -> memref<500288x128xf32, #tpu.memory_space<hbm>>
        tpu.enqueue_indirect_dma source(%dma_start3A_43 : memref<500288x128xf32, #tpu.memory_space<hbm>>) target(%arg8 : memref<416x128xf32, #tpu.memory_space<vmem>>) offsets(%arg6 : memref<416xi32, #tpu.memory_space<vmem>>) semaphore(%arg10 : memref<!tpu.dma_semaphore, #tpu.memory_space<semaphore_mem>>)
      } else {
      }
    }
    %scan3A_14 = arith.constant 4 : i32
    return
  }
}

#map = affine_map<(d0, d1) -> (0, 0)>
#map1 = affine_map<(d0, d1) -> (0)>
module attributes {stable_mosaic.version = 14 : i64} {
  func.func @sc_gather(%arg0: i32, %arg1: i32, %arg2: memref<500288x128xf32, #tpu.memory_space<hbm>>, %arg3: memref<106496xi32, #tpu.memory_space<hbm>>, %arg4: memref<106496x128xf32, #tpu.memory_space<hbm>>, %arg5: memref<416xi32, #tpu.memory_space<vmem>>, %arg6: memref<416xi32, #tpu.memory_space<vmem>>, %arg7: memref<416x128xf32, #tpu.memory_space<vmem>>, %arg8: memref<416x128xf32, #tpu.memory_space<vmem>>, %arg9: memref<!tpu.dma_semaphore, #tpu.memory_space<semaphore_mem>>, %arg10: memref<!tpu.dma_semaphore, #tpu.memory_space<semaphore_mem>>) attributes {dimension_semantics = [#tpu.dimension_semantics<core_parallel>, #tpu.dimension_semantics<subcore_parallel>], iteration_bounds = array<i64: 2, 16>, scalar_prefetch = 0 : i64, scratch_operands = 6 : i64, tpu.core_type = #tpu.core_type<sc_vector_subcore>, window_params = [{transform_indices = #map}, {transform_indices = #map1}, {transform_indices = #map}]} {
    %mul3A = arith.constant 2 : i32
    %mul3A_0 = arith.muli %arg1, %mul3A : i32
    %add3A = arith.addi %mul3A_0, %arg0 : i32
    %mul3A_1 = arith.constant 3328 : i32
    %mul3A_2 = arith.muli %add3A, %mul3A_1 : i32
    "tpu.region"() ({
      %run_scoped3A = tpu.sem_alloc : memref<!tpu.dma_semaphore, #tpu.memory_space<semaphore_mem>>
      %dma_start3A_15 = tpu.memref_slice %arg3[%mul3A_2] : memref<106496xi32, #tpu.memory_space<hbm>> -> memref<416xi32, #tpu.memory_space<hbm>>
      %dma_start3A_16 = tpu.memref_slice %arg3[%mul3A_2] : memref<106496xi32, #tpu.memory_space<hbm>> -> memref<416xi32, #tpu.memory_space<hbm>>
      tpu.enqueue_dma source(%dma_start3A_16 : memref<416xi32, #tpu.memory_space<hbm>>) target(%arg5 : memref<416xi32, #tpu.memory_space<vmem>>) target_semaphore(%run_scoped3A : memref<!tpu.dma_semaphore, #tpu.memory_space<semaphore_mem>>)
      %dma_wait3A = tpu.memref_slice %arg3[%mul3A_2] : memref<106496xi32, #tpu.memory_space<hbm>> -> memref<416xi32, #tpu.memory_space<hbm>>
      %dma_wait3A_17 = tpu.memref_slice %arg3[%mul3A_2] : memref<106496xi32, #tpu.memory_space<hbm>> -> memref<416xi32, #tpu.memory_space<hbm>>
      tpu.wait_dma2 semaphore(%run_scoped3A : memref<!tpu.dma_semaphore, #tpu.memory_space<semaphore_mem>>) src(%dma_wait3A_17 : memref<416xi32, #tpu.memory_space<hbm>>) dst(%arg5 : memref<416xi32, #tpu.memory_space<vmem>>)
      tpu.yield
    }) : () -> ()
    %dma_start3A = arith.constant 0 : i32
    %dma_start3A_3 = arith.constant 0 : i32
    %dma_start3A_4 = tpu.memref_slice %arg2[%dma_start3A, %dma_start3A_3] : memref<500288x128xf32, #tpu.memory_space<hbm>> -> memref<500288x128xf32, #tpu.memory_space<hbm>>
    tpu.enqueue_indirect_dma source(%dma_start3A_4 : memref<500288x128xf32, #tpu.memory_space<hbm>>) target(%arg7 : memref<416x128xf32, #tpu.memory_space<vmem>>) offsets(%arg5 : memref<416xi32, #tpu.memory_space<vmem>>) semaphore(%arg9 : memref<!tpu.dma_semaphore, #tpu.memory_space<semaphore_mem>>)
    %add3A_5 = arith.constant 416 : i32
    %add3A_6 = arith.addi %mul3A_2, %add3A_5 : i32
    "tpu.region"() ({
      %run_scoped3A = tpu.sem_alloc : memref<!tpu.dma_semaphore, #tpu.memory_space<semaphore_mem>>
      %dma_start3A_15 = tpu.memref_slice %arg3[%add3A_6] : memref<106496xi32, #tpu.memory_space<hbm>> -> memref<416xi32, #tpu.memory_space<hbm>>
      %dma_start3A_16 = tpu.memref_slice %arg3[%add3A_6] : memref<106496xi32, #tpu.memory_space<hbm>> -> memref<416xi32, #tpu.memory_space<hbm>>
      tpu.enqueue_dma source(%dma_start3A_16 : memref<416xi32, #tpu.memory_space<hbm>>) target(%arg6 : memref<416xi32, #tpu.memory_space<vmem>>) target_semaphore(%run_scoped3A : memref<!tpu.dma_semaphore, #tpu.memory_space<semaphore_mem>>)
      %dma_wait3A = tpu.memref_slice %arg3[%add3A_6] : memref<106496xi32, #tpu.memory_space<hbm>> -> memref<416xi32, #tpu.memory_space<hbm>>
      %dma_wait3A_17 = tpu.memref_slice %arg3[%add3A_6] : memref<106496xi32, #tpu.memory_space<hbm>> -> memref<416xi32, #tpu.memory_space<hbm>>
      tpu.wait_dma2 semaphore(%run_scoped3A : memref<!tpu.dma_semaphore, #tpu.memory_space<semaphore_mem>>) src(%dma_wait3A_17 : memref<416xi32, #tpu.memory_space<hbm>>) dst(%arg6 : memref<416xi32, #tpu.memory_space<vmem>>)
      tpu.yield
    }) : () -> ()
    %dma_start3A_7 = arith.constant 0 : i32
    %dma_start3A_8 = arith.constant 0 : i32
    %dma_start3A_9 = tpu.memref_slice %arg2[%dma_start3A_7, %dma_start3A_8] : memref<500288x128xf32, #tpu.memory_space<hbm>> -> memref<500288x128xf32, #tpu.memory_space<hbm>>
    tpu.enqueue_indirect_dma source(%dma_start3A_9 : memref<500288x128xf32, #tpu.memory_space<hbm>>) target(%arg8 : memref<416x128xf32, #tpu.memory_space<vmem>>) offsets(%arg6 : memref<416xi32, #tpu.memory_space<vmem>>) semaphore(%arg10 : memref<!tpu.dma_semaphore, #tpu.memory_space<semaphore_mem>>)
    %scan3A = arith.constant 0 : i32
    %scan3A_10 = arith.constant 0 : i32
    %scan3A_11 = arith.constant 4 : i32
    %scan3A_12 = arith.addi %scan3A_10, %scan3A_11 : i32
    %scan3A_13 = arith.constant 1 : i32
    scf.for %scan3A_15 = %scan3A_10 to %scan3A_12 step %scan3A_13  : i32 {
      %mul3A_16 = arith.constant 2 : i32
      %mul3A_17 = arith.muli %mul3A_16, %scan3A_15 : i32
      %mul3A_18 = arith.constant 416 : i32
      %mul3A_19 = arith.muli %mul3A_17, %mul3A_18 : i32
      %add3A_20 = arith.addi %mul3A_2, %mul3A_19 : i32
      %dma_wait3A = arith.constant 0 : i32
      %dma_wait3A_21 = arith.constant 0 : i32
      %dma_wait3A_22 = tpu.memref_slice %arg2[%dma_wait3A, %dma_wait3A_21] : memref<500288x128xf32, #tpu.memory_space<hbm>> -> memref<500288x128xf32, #tpu.memory_space<hbm>>
      tpu.wait_indirect_dma semaphore(%arg9 : memref<!tpu.dma_semaphore, #tpu.memory_space<semaphore_mem>>) src(%dma_wait3A_22 : memref<500288x128xf32, #tpu.memory_space<hbm>>) dst(%arg7 : memref<416x128xf32, #tpu.memory_space<vmem>>)
      "tpu.region"() ({
        %run_scoped3A = tpu.sem_alloc : memref<!tpu.dma_semaphore, #tpu.memory_space<semaphore_mem>>
        %dma_start3A_39 = arith.constant 0 : i32
        %dma_start3A_40 = tpu.memref_slice %arg4[%add3A_20, %dma_start3A_39] : memref<106496x128xf32, #tpu.memory_space<hbm>> -> memref<416x128xf32, #tpu.memory_space<hbm>>
        %dma_start3A_41 = arith.constant 0 : i32
        %dma_start3A_42 = tpu.memref_slice %arg4[%add3A_20, %dma_start3A_41] : memref<106496x128xf32, #tpu.memory_space<hbm>> -> memref<416x128xf32, #tpu.memory_space<hbm>>
        tpu.enqueue_dma source(%arg7 : memref<416x128xf32, #tpu.memory_space<vmem>>) target(%dma_start3A_42 : memref<416x128xf32, #tpu.memory_space<hbm>>) target_semaphore(%run_scoped3A : memref<!tpu.dma_semaphore, #tpu.memory_space<semaphore_mem>>)
        %dma_wait3A_43 = arith.constant 0 : i32
        %dma_wait3A_44 = tpu.memref_slice %arg4[%add3A_20, %dma_wait3A_43] : memref<106496x128xf32, #tpu.memory_space<hbm>> -> memref<416x128xf32, #tpu.memory_space<hbm>>
        %dma_wait3A_45 = arith.constant 0 : i32
        %dma_wait3A_46 = tpu.memref_slice %arg4[%add3A_20, %dma_wait3A_45] : memref<106496x128xf32, #tpu.memory_space<hbm>> -> memref<416x128xf32, #tpu.memory_space<hbm>>
        tpu.wait_dma2 semaphore(%run_scoped3A : memref<!tpu.dma_semaphore, #tpu.memory_space<semaphore_mem>>) src(%arg7 : memref<416x128xf32, #tpu.memory_space<vmem>>) dst(%dma_wait3A_46 : memref<416x128xf32, #tpu.memory_space<hbm>>)
        tpu.yield
      }) : () -> ()
      %add3A_23 = arith.constant 1 : i32
      %add3A_24 = arith.addi %scan3A_15, %add3A_23 : i32
      %lt3A = arith.constant 4 : i32
      %lt3A_25 = arith.cmpi slt, %add3A_24, %lt3A : i32
      %convert_element_type3A = arith.extui %lt3A_25 : i1 to i32
      %cond3A = arith.constant 0 : i32
      %cond3A_26 = arith.cmpi ne, %convert_element_type3A, %cond3A : i32
      scf.if %cond3A_26 {
        %add3A_39 = arith.constant 832 : i32
        %add3A_40 = arith.addi %add3A_20, %add3A_39 : i32
        "tpu.region"() ({
          %run_scoped3A = tpu.sem_alloc : memref<!tpu.dma_semaphore, #tpu.memory_space<semaphore_mem>>
          %dma_start3A_44 = tpu.memref_slice %arg3[%add3A_40] : memref<106496xi32, #tpu.memory_space<hbm>> -> memref<416xi32, #tpu.memory_space<hbm>>
          %dma_start3A_45 = tpu.memref_slice %arg3[%add3A_40] : memref<106496xi32, #tpu.memory_space<hbm>> -> memref<416xi32, #tpu.memory_space<hbm>>
          tpu.enqueue_dma source(%dma_start3A_45 : memref<416xi32, #tpu.memory_space<hbm>>) target(%arg5 : memref<416xi32, #tpu.memory_space<vmem>>) target_semaphore(%run_scoped3A : memref<!tpu.dma_semaphore, #tpu.memory_space<semaphore_mem>>)
          %dma_wait3A_46 = tpu.memref_slice %arg3[%add3A_40] : memref<106496xi32, #tpu.memory_space<hbm>> -> memref<416xi32, #tpu.memory_space<hbm>>
          %dma_wait3A_47 = tpu.memref_slice %arg3[%add3A_40] : memref<106496xi32, #tpu.memory_space<hbm>> -> memref<416xi32, #tpu.memory_space<hbm>>
          tpu.wait_dma2 semaphore(%run_scoped3A : memref<!tpu.dma_semaphore, #tpu.memory_space<semaphore_mem>>) src(%dma_wait3A_47 : memref<416xi32, #tpu.memory_space<hbm>>) dst(%arg5 : memref<416xi32, #tpu.memory_space<vmem>>)
          tpu.yield
        }) : () -> ()
        %dma_start3A_41 = arith.constant 0 : i32
        %dma_start3A_42 = arith.constant 0 : i32
        %dma_start3A_43 = tpu.memref_slice %arg2[%dma_start3A_41, %dma_start3A_42] : memref<500288x128xf32, #tpu.memory_space<hbm>> -> memref<500288x128xf32, #tpu.memory_space<hbm>>
        tpu.enqueue_indirect_dma source(%dma_start3A_43 : memref<500288x128xf32, #tpu.memory_space<hbm>>) target(%arg7 : memref<416x128xf32, #tpu.memory_space<vmem>>) offsets(%arg5 : memref<416xi32, #tpu.memory_space<vmem>>) semaphore(%arg9 : memref<!tpu.dma_semaphore, #tpu.memory_space<semaphore_mem>>)
      } else {
      }
      %dma_wait3A_27 = arith.constant 0 : i32
      %dma_wait3A_28 = arith.constant 0 : i32
      %dma_wait3A_29 = tpu.memref_slice %arg2[%dma_wait3A_27, %dma_wait3A_28] : memref<500288x128xf32, #tpu.memory_space<hbm>> -> memref<500288x128xf32, #tpu.memory_space<hbm>>
      tpu.wait_indirect_dma semaphore(%arg10 : memref<!tpu.dma_semaphore, #tpu.memory_space<semaphore_mem>>) src(%dma_wait3A_29 : memref<500288x128xf32, #tpu.memory_space<hbm>>) dst(%arg8 : memref<416x128xf32, #tpu.memory_space<vmem>>)
      %add3A_30 = arith.constant 416 : i32
      %add3A_31 = arith.addi %add3A_20, %add3A_30 : i32
      "tpu.region"() ({
        %run_scoped3A = tpu.sem_alloc : memref<!tpu.dma_semaphore, #tpu.memory_space<semaphore_mem>>
        %dma_start3A_39 = arith.constant 0 : i32
        %dma_start3A_40 = tpu.memref_slice %arg4[%add3A_31, %dma_start3A_39] : memref<106496x128xf32, #tpu.memory_space<hbm>> -> memref<416x128xf32, #tpu.memory_space<hbm>>
        %dma_start3A_41 = arith.constant 0 : i32
        %dma_start3A_42 = tpu.memref_slice %arg4[%add3A_31, %dma_start3A_41] : memref<106496x128xf32, #tpu.memory_space<hbm>> -> memref<416x128xf32, #tpu.memory_space<hbm>>
        tpu.enqueue_dma source(%arg8 : memref<416x128xf32, #tpu.memory_space<vmem>>) target(%dma_start3A_42 : memref<416x128xf32, #tpu.memory_space<hbm>>) target_semaphore(%run_scoped3A : memref<!tpu.dma_semaphore, #tpu.memory_space<semaphore_mem>>)
        %dma_wait3A_43 = arith.constant 0 : i32
        %dma_wait3A_44 = tpu.memref_slice %arg4[%add3A_31, %dma_wait3A_43] : memref<106496x128xf32, #tpu.memory_space<hbm>> -> memref<416x128xf32, #tpu.memory_space<hbm>>
        %dma_wait3A_45 = arith.constant 0 : i32
        %dma_wait3A_46 = tpu.memref_slice %arg4[%add3A_31, %dma_wait3A_45] : memref<106496x128xf32, #tpu.memory_space<hbm>> -> memref<416x128xf32, #tpu.memory_space<hbm>>
        tpu.wait_dma2 semaphore(%run_scoped3A : memref<!tpu.dma_semaphore, #tpu.memory_space<semaphore_mem>>) src(%arg8 : memref<416x128xf32, #tpu.memory_space<vmem>>) dst(%dma_wait3A_46 : memref<416x128xf32, #tpu.memory_space<hbm>>)
        tpu.yield
      }) : () -> ()
      %add3A_32 = arith.constant 1 : i32
      %add3A_33 = arith.addi %scan3A_15, %add3A_32 : i32
      %lt3A_34 = arith.constant 4 : i32
      %lt3A_35 = arith.cmpi slt, %add3A_33, %lt3A_34 : i32
      %convert_element_type3A_36 = arith.extui %lt3A_35 : i1 to i32
      %cond3A_37 = arith.constant 0 : i32
      %cond3A_38 = arith.cmpi ne, %convert_element_type3A_36, %cond3A_37 : i32
      scf.if %cond3A_38 {
        %add3A_39 = arith.constant 1248 : i32
        %add3A_40 = arith.addi %add3A_20, %add3A_39 : i32
        "tpu.region"() ({
          %run_scoped3A = tpu.sem_alloc : memref<!tpu.dma_semaphore, #tpu.memory_space<semaphore_mem>>
          %dma_start3A_44 = tpu.memref_slice %arg3[%add3A_40] : memref<106496xi32, #tpu.memory_space<hbm>> -> memref<416xi32, #tpu.memory_space<hbm>>
          %dma_start3A_45 = tpu.memref_slice %arg3[%add3A_40] : memref<106496xi32, #tpu.memory_space<hbm>> -> memref<416xi32, #tpu.memory_space<hbm>>
          tpu.enqueue_dma source(%dma_start3A_45 : memref<416xi32, #tpu.memory_space<hbm>>) target(%arg6 : memref<416xi32, #tpu.memory_space<vmem>>) target_semaphore(%run_scoped3A : memref<!tpu.dma_semaphore, #tpu.memory_space<semaphore_mem>>)
          %dma_wait3A_46 = tpu.memref_slice %arg3[%add3A_40] : memref<106496xi32, #tpu.memory_space<hbm>> -> memref<416xi32, #tpu.memory_space<hbm>>
          %dma_wait3A_47 = tpu.memref_slice %arg3[%add3A_40] : memref<106496xi32, #tpu.memory_space<hbm>> -> memref<416xi32, #tpu.memory_space<hbm>>
          tpu.wait_dma2 semaphore(%run_scoped3A : memref<!tpu.dma_semaphore, #tpu.memory_space<semaphore_mem>>) src(%dma_wait3A_47 : memref<416xi32, #tpu.memory_space<hbm>>) dst(%arg6 : memref<416xi32, #tpu.memory_space<vmem>>)
          tpu.yield
        }) : () -> ()
        %dma_start3A_41 = arith.constant 0 : i32
        %dma_start3A_42 = arith.constant 0 : i32
        %dma_start3A_43 = tpu.memref_slice %arg2[%dma_start3A_41, %dma_start3A_42] : memref<500288x128xf32, #tpu.memory_space<hbm>> -> memref<500288x128xf32, #tpu.memory_space<hbm>>
        tpu.enqueue_indirect_dma source(%dma_start3A_43 : memref<500288x128xf32, #tpu.memory_space<hbm>>) target(%arg8 : memref<416x128xf32, #tpu.memory_space<vmem>>) offsets(%arg6 : memref<416xi32, #tpu.memory_space<vmem>>) semaphore(%arg10 : memref<!tpu.dma_semaphore, #tpu.memory_space<semaphore_mem>>)
      } else {
      }
    }
    %scan3A_14 = arith.constant 4 : i32
    return
  }
}

module attributes {stable_mosaic.version = 14 : i64} {
  func.func @body(%arg0: i32, %arg1: memref<64x8192xf32, #tpu.memory_space<vmem>>, %arg2: memref<64x8192xf32, #tpu.memory_space<vmem>>, %arg3: memref<128x128xf32, #tpu.memory_space<vmem>>, %arg4: memref<1x128xf32, #tpu.memory_space<vmem>>, %arg5: memref<8192x128xf32, #tpu.memory_space<vmem>>) attributes {dimension_semantics = [#tpu.dimension_semantics<arbitrary>], iteration_bounds = array<i64: 62>, scalar_prefetch = 0 : i64, scratch_operands = 0 : i64, tpu.core_type = #tpu.core_type<tc>, window_params = [{transform_indices = @transform_0, window_bounds = array<i64: 64, 8192>}, {transform_indices = @transform_1, window_bounds = array<i64: 64, 8192>}, {pipeline_mode = #tpu.pipeline_mode<synchronous>, transform_indices = @transform_2, window_bounds = array<i64: 128, 128>}, {pipeline_mode = #tpu.pipeline_mode<synchronous>, transform_indices = @transform_3, window_bounds = array<i64: 1, 128>}, {transform_indices = @transform_4, window_bounds = array<i64: 8192, 128>}]} {
    %get3A = arith.constant 0 : index
    %get3A_0 = arith.constant 0 : index
    %get3A_1 = vector.load %arg1[%get3A, %get3A_0] : memref<64x8192xf32, #tpu.memory_space<vmem>>, vector<64x8192xf32>
    %get3A_2 = arith.constant 0 : index
    %get3A_3 = arith.constant 0 : index
    %get3A_4 = vector.load %arg2[%get3A_2, %get3A_3] : memref<64x8192xf32, #tpu.memory_space<vmem>>, vector<64x8192xf32>
    %concatenate3A = tpu.concatenate %get3A_1, %get3A_4 in 0 : vector<64x8192xf32>, vector<64x8192xf32> -> vector<128x8192xf32>
    %get3A_5 = arith.constant 0 : index
    %get3A_6 = arith.constant 0 : index
    %get3A_7 = vector.load %arg3[%get3A_5, %get3A_6] : memref<128x128xf32, #tpu.memory_space<vmem>>, vector<128x128xf32>
    %dot_general3A = arith.constant dense<0.000000e+00> : vector<8192x128xf32>
    %dot_general3A_8 = tpu.matmul %concatenate3A, %get3A_7, %dot_general3A {dimension_numbers = #tpu.dot_dimension_numbers<[0], [0], [1], [1], [0, 1, 1, 1], [], []>, transpose_lhs_hint = false} : vector<128x8192xf32>, vector<128x128xf32>, vector<8192x128xf32> -> vector<8192x128xf32>
    %get3A_9 = arith.constant 0 : index
    %get3A_10 = arith.constant 0 : index
    %get3A_11 = vector.load %arg4[%get3A_9, %get3A_10] : memref<1x128xf32, #tpu.memory_space<vmem>>, vector<1x128xf32>
    %add3A = vector.broadcast %get3A_11 : vector<1x128xf32> to vector<8192x128xf32>
    %add3A_12 = arith.addf %dot_general3A_8, %add3A : vector<8192x128xf32>
    %swap3A = arith.constant 0 : index
    %swap3A_13 = arith.constant 0 : index
    %swap3A_14 = vector.load %arg5[%swap3A, %swap3A_13] : memref<8192x128xf32, #tpu.memory_space<vmem>>, vector<8192x128xf32>
    tpu.vector_store %arg5[%swap3A, %swap3A_13], %add3A_12 {strides = array<i32>} : memref<8192x128xf32, #tpu.memory_space<vmem>>, vector<8192x128xf32>,
    return
  }
  func.func @transform_0(%arg0: i32) -> (i32, i32) {
    %c0_i32 = arith.constant 0 : i32
    %c0_i32_0 = arith.constant 0 : i32
    return %c0_i32, %arg0 : i32, i32
  }
  func.func @transform_1(%arg0: i32) -> (i32, i32) {
    %add3A = arith.constant 61 : i32
    %add3A_0 = arith.addi %arg0, %add3A : i32
    %c0_i32 = arith.constant 0 : i32
    %c0_i32_1 = arith.constant 0 : i32
    return %c0_i32, %add3A_0 : i32, i32
  }
  func.func @transform_2(%arg0: i32) -> (i32, i32) {
    %c0_i32 = arith.constant 0 : i32
    %c0_i32_0 = arith.constant 0 : i32
    %c0_i32_1 = arith.constant 0 : i32
    return %c0_i32, %c0_i32_0 : i32, i32
  }
  func.func @transform_3(%arg0: i32) -> (i32, i32) {
    %c0_i32 = arith.constant 0 : i32
    %c0_i32_0 = arith.constant 0 : i32
    %c0_i32_1 = arith.constant 0 : i32
    return %c0_i32, %c0_i32_0 : i32, i32
  }
  func.func @transform_4(%arg0: i32) -> (i32, i32) {
    %c0_i32 = arith.constant 0 : i32
    %c0_i32_0 = arith.constant 0 : i32
    return %arg0, %c0_i32 : i32, i32
  }
}

module attributes {stable_mosaic.version = 14 : i64} {
  func.func @body(%arg0: i32, %arg1: i32, %arg2: memref<4096x128xf32, #tpu.memory_space<vmem>>, %arg3: memref<1x1x4096xf32, #tpu.memory_space<vmem>>, %arg4: memref<1x64x4096xf32, #tpu.memory_space<vmem>>) attributes {dimension_semantics = [#tpu.dimension_semantics<arbitrary>, #tpu.dimension_semantics<arbitrary>], iteration_bounds = array<i64: 13, 2>, scalar_prefetch = 0 : i64, scratch_operands = 0 : i64, tpu.core_type = #tpu.core_type<tc>, window_params = [{transform_indices = @transform_0, window_bounds = array<i64: 4096, 128>}, {transform_indices = @transform_1, window_bounds = array<i64: 1, 1, 4096>}, {transform_indices = @transform_2, window_bounds = array<i64: 1, 64, 4096>}]} {
    %get3A = arith.constant 0 : index
    %get3A_0 = arith.constant 0 : index
    %get3A_1 = vector.load %arg2[%get3A, %get3A_0] : memref<4096x128xf32, #tpu.memory_space<vmem>>, vector<4096x128xf32>
    %get3A_2 = arith.constant 0 : index
    %get3A_3 = arith.constant 0 : index
    %get3A_4 = arith.constant 0 : index
    %get3A_5 = vector.load %arg3[%get3A_2, %get3A_3, %get3A_4] : memref<1x1x4096xf32, #tpu.memory_space<vmem>>, vector<1x1x4096xf32>
    %get3A_6 = vector.shape_cast %get3A_5 : vector<1x1x4096xf32> to vector<1x4096xf32>
    %transpose3A = tpu.transpose %get3A_1, [1, 0] : vector<4096x128xf32> -> vector<128x4096xf32>
    %slice3A = vector.extract_strided_slice %transpose3A {offsets = [0, 0], sizes = [64, 4096], strides = [1, 1]} : vector<128x4096xf32> to vector<64x4096xf32>
    %slice3A_7 = vector.extract_strided_slice %transpose3A {offsets = [64, 0], sizes = [64, 4096], strides = [1, 1]} : vector<128x4096xf32> to vector<64x4096xf32>
    %sub3A = arith.subf %slice3A_7, %slice3A : vector<64x4096xf32>
    %mul3A = vector.broadcast %get3A_6 : vector<1x4096xf32> to vector<64x4096xf32>
    %mul3A_8 = arith.mulf %mul3A, %sub3A : vector<64x4096xf32>
    %add3A = arith.addf %slice3A, %mul3A_8 : vector<64x4096xf32>
    %broadcast_in_dim3A = vector.shape_cast %add3A : vector<64x4096xf32> to vector<1x64x4096xf32>
    %swap3A = arith.constant 0 : index
    %swap3A_9 = arith.constant 0 : index
    %swap3A_10 = arith.constant 0 : index
    %swap3A_11 = vector.load %arg4[%swap3A, %swap3A_9, %swap3A_10] : memref<1x64x4096xf32, #tpu.memory_space<vmem>>, vector<1x64x4096xf32>
    tpu.vector_store %arg4[%swap3A, %swap3A_9, %swap3A_10], %broadcast_in_dim3A {strides = array<i32>} : memref<1x64x4096xf32, #tpu.memory_space<vmem>>, vector<1x64x4096xf32>,
    return
  }
  func.func @transform_0(%arg0: i32, %arg1: i32) -> (i32, i32) {
    %mul3A = arith.constant 2 : i32
    %mul3A_0 = arith.muli %arg0, %mul3A : i32
    %add3A = arith.addi %mul3A_0, %arg1 : i32
    %c0_i32 = arith.constant 0 : i32
    %c0_i32_1 = arith.constant 0 : i32
    return %add3A, %c0_i32 : i32, i32
  }
  func.func @transform_1(%arg0: i32, %arg1: i32) -> (i32, i32, i32) {
    %add3A = arith.constant 0 : i32
    %add3A_0 = arith.addi %arg0, %add3A : i32
    %add3A_1 = arith.constant 0 : i32
    %add3A_2 = arith.addi %add3A_1, %arg1 : i32
    %c0_i32 = arith.constant 0 : i32
    %c0_i32_3 = arith.constant 0 : i32
    return %add3A_0, %c0_i32, %add3A_2 : i32, i32, i32
  }
  func.func @transform_2(%arg0: i32, %arg1: i32) -> (i32, i32, i32) {
    %add3A = arith.constant 0 : i32
    %add3A_0 = arith.addi %arg0, %add3A : i32
    %add3A_1 = arith.constant 0 : i32
    %add3A_2 = arith.addi %add3A_1, %arg1 : i32
    %c0_i32 = arith.constant 0 : i32
    %c0_i32_3 = arith.constant 0 : i32
    return %add3A_0, %c0_i32, %add3A_2 : i32, i32, i32
  }
}

module attributes {stable_mosaic.version = 14 : i64} {
  func.func @body(%arg0: i32, %arg1: i32, %arg2: memref<1x8x128xf32, #tpu.memory_space<vmem>>, %arg3: memref<4096x128xf32, #tpu.memory_space<vmem>>, %arg4: memref<1x1x4096xf32, #tpu.memory_space<vmem>>, %arg5: memref<1x64x4096xf32, #tpu.memory_space<vmem>>) attributes {dimension_semantics = [#tpu.dimension_semantics<arbitrary>, #tpu.dimension_semantics<arbitrary>], iteration_bounds = array<i64: 13, 2>, scalar_prefetch = 0 : i64, scratch_operands = 0 : i64, tpu.core_type = #tpu.core_type<tc>, window_params = [{transform_indices = @transform_0, window_bounds = array<i64: 1, 8, 128>}, {transform_indices = @transform_1, window_bounds = array<i64: 4096, 128>}, {transform_indices = @transform_2, window_bounds = array<i64: 1, 1, 4096>}, {transform_indices = @transform_3, window_bounds = array<i64: 1, 64, 4096>}]} {
    %get3A = arith.constant 0 : index
    %get3A_0 = arith.constant 0 : index
    %get3A_1 = vector.load %arg3[%get3A, %get3A_0] : memref<4096x128xf32, #tpu.memory_space<vmem>>, vector<4096x128xf32>
    %get3A_2 = arith.constant 0 : index
    %get3A_3 = arith.constant 0 : index
    %get3A_4 = arith.constant 0 : index
    %get3A_5 = vector.load %arg4[%get3A_2, %get3A_3, %get3A_4] : memref<1x1x4096xf32, #tpu.memory_space<vmem>>, vector<1x1x4096xf32>
    %get3A_6 = vector.shape_cast %get3A_5 : vector<1x1x4096xf32> to vector<1x4096xf32>
    %transpose3A = tpu.transpose %get3A_1, [1, 0] : vector<4096x128xf32> -> vector<128x4096xf32>
    %slice3A = vector.extract_strided_slice %transpose3A {offsets = [0, 0], sizes = [64, 4096], strides = [1, 1]} : vector<128x4096xf32> to vector<64x4096xf32>
    %slice3A_7 = vector.extract_strided_slice %transpose3A {offsets = [64, 0], sizes = [64, 4096], strides = [1, 1]} : vector<128x4096xf32> to vector<64x4096xf32>
    %sub3A = arith.subf %slice3A_7, %slice3A : vector<64x4096xf32>
    %mul3A = vector.broadcast %get3A_6 : vector<1x4096xf32> to vector<64x4096xf32>
    %mul3A_8 = arith.mulf %mul3A, %sub3A : vector<64x4096xf32>
    %add3A = arith.addf %slice3A, %mul3A_8 : vector<64x4096xf32>
    %broadcast_in_dim3A = vector.shape_cast %add3A : vector<64x4096xf32> to vector<1x64x4096xf32>
    %swap3A = arith.constant 0 : index
    %swap3A_9 = arith.constant 0 : index
    %swap3A_10 = arith.constant 0 : index
    %swap3A_11 = vector.load %arg5[%swap3A, %swap3A_9, %swap3A_10] : memref<1x64x4096xf32, #tpu.memory_space<vmem>>, vector<1x64x4096xf32>
    tpu.vector_store %arg5[%swap3A, %swap3A_9, %swap3A_10], %broadcast_in_dim3A {strides = array<i32>} : memref<1x64x4096xf32, #tpu.memory_space<vmem>>, vector<1x64x4096xf32>,
    return
  }
  func.func @transform_0(%arg0: i32, %arg1: i32) -> (i32, i32, i32) {
    %c0_i32 = arith.constant 0 : i32
    %c0_i32_0 = arith.constant 0 : i32
    %c0_i32_1 = arith.constant 0 : i32
    %c0_i32_2 = arith.constant 0 : i32
    return %c0_i32, %c0_i32_0, %c0_i32_1 : i32, i32, i32
  }
  func.func @transform_1(%arg0: i32, %arg1: i32) -> (i32, i32) {
    %mul3A = arith.constant 2 : i32
    %mul3A_0 = arith.muli %arg0, %mul3A : i32
    %add3A = arith.addi %mul3A_0, %arg1 : i32
    %c0_i32 = arith.constant 0 : i32
    %c0_i32_1 = arith.constant 0 : i32
    return %add3A, %c0_i32 : i32, i32
  }
  func.func @transform_2(%arg0: i32, %arg1: i32) -> (i32, i32, i32) {
    %add3A = arith.constant 0 : i32
    %add3A_0 = arith.addi %arg0, %add3A : i32
    %add3A_1 = arith.constant 2 : i32
    %add3A_2 = arith.addi %add3A_1, %arg1 : i32
    %c0_i32 = arith.constant 0 : i32
    %c0_i32_3 = arith.constant 0 : i32
    return %add3A_0, %c0_i32, %add3A_2 : i32, i32, i32
  }
  func.func @transform_3(%arg0: i32, %arg1: i32) -> (i32, i32, i32) {
    %add3A = arith.constant 0 : i32
    %add3A_0 = arith.addi %arg0, %add3A : i32
    %add3A_1 = arith.constant 2 : i32
    %add3A_2 = arith.addi %add3A_1, %arg1 : i32
    %c0_i32 = arith.constant 0 : i32
    %c0_i32_3 = arith.constant 0 : i32
    return %add3A_0, %c0_i32, %add3A_2 : i32, i32, i32
  }
}

module attributes {stable_mosaic.version = 14 : i64} {
  func.func @body(%arg0: i32, %arg1: i32, %arg2: memref<1x8x128xf32, #tpu.memory_space<vmem>>, %arg3: memref<4096x128xf32, #tpu.memory_space<vmem>>, %arg4: memref<1x1x4096xf32, #tpu.memory_space<vmem>>, %arg5: memref<1x64x4096xf32, #tpu.memory_space<vmem>>) attributes {dimension_semantics = [#tpu.dimension_semantics<arbitrary>, #tpu.dimension_semantics<arbitrary>], iteration_bounds = array<i64: 13, 2>, scalar_prefetch = 0 : i64, scratch_operands = 0 : i64, tpu.core_type = #tpu.core_type<tc>, window_params = [{transform_indices = @transform_0, window_bounds = array<i64: 1, 8, 128>}, {transform_indices = @transform_1, window_bounds = array<i64: 4096, 128>}, {transform_indices = @transform_2, window_bounds = array<i64: 1, 1, 4096>}, {transform_indices = @transform_3, window_bounds = array<i64: 1, 64, 4096>}]} {
    %get3A = arith.constant 0 : index
    %get3A_0 = arith.constant 0 : index
    %get3A_1 = vector.load %arg3[%get3A, %get3A_0] : memref<4096x128xf32, #tpu.memory_space<vmem>>, vector<4096x128xf32>
    %get3A_2 = arith.constant 0 : index
    %get3A_3 = arith.constant 0 : index
    %get3A_4 = arith.constant 0 : index
    %get3A_5 = vector.load %arg4[%get3A_2, %get3A_3, %get3A_4] : memref<1x1x4096xf32, #tpu.memory_space<vmem>>, vector<1x1x4096xf32>
    %get3A_6 = vector.shape_cast %get3A_5 : vector<1x1x4096xf32> to vector<1x4096xf32>
    %transpose3A = tpu.transpose %get3A_1, [1, 0] : vector<4096x128xf32> -> vector<128x4096xf32>
    %slice3A = vector.extract_strided_slice %transpose3A {offsets = [0, 0], sizes = [64, 4096], strides = [1, 1]} : vector<128x4096xf32> to vector<64x4096xf32>
    %slice3A_7 = vector.extract_strided_slice %transpose3A {offsets = [64, 0], sizes = [64, 4096], strides = [1, 1]} : vector<128x4096xf32> to vector<64x4096xf32>
    %sub3A = arith.subf %slice3A_7, %slice3A : vector<64x4096xf32>
    %mul3A = vector.broadcast %get3A_6 : vector<1x4096xf32> to vector<64x4096xf32>
    %mul3A_8 = arith.mulf %mul3A, %sub3A : vector<64x4096xf32>
    %add3A = arith.addf %slice3A, %mul3A_8 : vector<64x4096xf32>
    %broadcast_in_dim3A = vector.shape_cast %add3A : vector<64x4096xf32> to vector<1x64x4096xf32>
    %swap3A = arith.constant 0 : index
    %swap3A_9 = arith.constant 0 : index
    %swap3A_10 = arith.constant 0 : index
    %swap3A_11 = vector.load %arg5[%swap3A, %swap3A_9, %swap3A_10] : memref<1x64x4096xf32, #tpu.memory_space<vmem>>, vector<1x64x4096xf32>
    tpu.vector_store %arg5[%swap3A, %swap3A_9, %swap3A_10], %broadcast_in_dim3A {strides = array<i32>} : memref<1x64x4096xf32, #tpu.memory_space<vmem>>, vector<1x64x4096xf32>,
    return
  }
  func.func @transform_0(%arg0: i32, %arg1: i32) -> (i32, i32, i32) {
    %c0_i32 = arith.constant 0 : i32
    %c0_i32_0 = arith.constant 0 : i32
    %c0_i32_1 = arith.constant 0 : i32
    %c0_i32_2 = arith.constant 0 : i32
    return %c0_i32, %c0_i32_0, %c0_i32_1 : i32, i32, i32
  }
  func.func @transform_1(%arg0: i32, %arg1: i32) -> (i32, i32) {
    %mul3A = arith.constant 2 : i32
    %mul3A_0 = arith.muli %arg0, %mul3A : i32
    %add3A = arith.addi %mul3A_0, %arg1 : i32
    %c0_i32 = arith.constant 0 : i32
    %c0_i32_1 = arith.constant 0 : i32
    return %add3A, %c0_i32 : i32, i32
  }
  func.func @transform_2(%arg0: i32, %arg1: i32) -> (i32, i32, i32) {
    %add3A = arith.constant 13 : i32
    %add3A_0 = arith.addi %arg0, %add3A : i32
    %add3A_1 = arith.constant 0 : i32
    %add3A_2 = arith.addi %add3A_1, %arg1 : i32
    %c0_i32 = arith.constant 0 : i32
    %c0_i32_3 = arith.constant 0 : i32
    return %add3A_0, %c0_i32, %add3A_2 : i32, i32, i32
  }
  func.func @transform_3(%arg0: i32, %arg1: i32) -> (i32, i32, i32) {
    %add3A = arith.constant 13 : i32
    %add3A_0 = arith.addi %arg0, %add3A : i32
    %add3A_1 = arith.constant 0 : i32
    %add3A_2 = arith.addi %add3A_1, %arg1 : i32
    %c0_i32 = arith.constant 0 : i32
    %c0_i32_3 = arith.constant 0 : i32
    return %add3A_0, %c0_i32, %add3A_2 : i32, i32, i32
  }
}

module attributes {stable_mosaic.version = 14 : i64} {
  func.func @body(%arg0: i32, %arg1: i32, %arg2: memref<1x8x128xf32, #tpu.memory_space<vmem>>, %arg3: memref<4096x128xf32, #tpu.memory_space<vmem>>, %arg4: memref<1x1x4096xf32, #tpu.memory_space<vmem>>, %arg5: memref<1x64x4096xf32, #tpu.memory_space<vmem>>) attributes {dimension_semantics = [#tpu.dimension_semantics<arbitrary>, #tpu.dimension_semantics<arbitrary>], iteration_bounds = array<i64: 13, 2>, scalar_prefetch = 0 : i64, scratch_operands = 0 : i64, tpu.core_type = #tpu.core_type<tc>, window_params = [{transform_indices = @transform_0, window_bounds = array<i64: 1, 8, 128>}, {transform_indices = @transform_1, window_bounds = array<i64: 4096, 128>}, {transform_indices = @transform_2, window_bounds = array<i64: 1, 1, 4096>}, {transform_indices = @transform_3, window_bounds = array<i64: 1, 64, 4096>}]} {
    %get3A = arith.constant 0 : index
    %get3A_0 = arith.constant 0 : index
    %get3A_1 = vector.load %arg3[%get3A, %get3A_0] : memref<4096x128xf32, #tpu.memory_space<vmem>>, vector<4096x128xf32>
    %get3A_2 = arith.constant 0 : index
    %get3A_3 = arith.constant 0 : index
    %get3A_4 = arith.constant 0 : index
    %get3A_5 = vector.load %arg4[%get3A_2, %get3A_3, %get3A_4] : memref<1x1x4096xf32, #tpu.memory_space<vmem>>, vector<1x1x4096xf32>
    %get3A_6 = vector.shape_cast %get3A_5 : vector<1x1x4096xf32> to vector<1x4096xf32>
    %transpose3A = tpu.transpose %get3A_1, [1, 0] : vector<4096x128xf32> -> vector<128x4096xf32>
    %slice3A = vector.extract_strided_slice %transpose3A {offsets = [0, 0], sizes = [64, 4096], strides = [1, 1]} : vector<128x4096xf32> to vector<64x4096xf32>
    %slice3A_7 = vector.extract_strided_slice %transpose3A {offsets = [64, 0], sizes = [64, 4096], strides = [1, 1]} : vector<128x4096xf32> to vector<64x4096xf32>
    %sub3A = arith.subf %slice3A_7, %slice3A : vector<64x4096xf32>
    %mul3A = vector.broadcast %get3A_6 : vector<1x4096xf32> to vector<64x4096xf32>
    %mul3A_8 = arith.mulf %mul3A, %sub3A : vector<64x4096xf32>
    %add3A = arith.addf %slice3A, %mul3A_8 : vector<64x4096xf32>
    %broadcast_in_dim3A = vector.shape_cast %add3A : vector<64x4096xf32> to vector<1x64x4096xf32>
    %swap3A = arith.constant 0 : index
    %swap3A_9 = arith.constant 0 : index
    %swap3A_10 = arith.constant 0 : index
    %swap3A_11 = vector.load %arg5[%swap3A, %swap3A_9, %swap3A_10] : memref<1x64x4096xf32, #tpu.memory_space<vmem>>, vector<1x64x4096xf32>
    tpu.vector_store %arg5[%swap3A, %swap3A_9, %swap3A_10], %broadcast_in_dim3A {strides = array<i32>} : memref<1x64x4096xf32, #tpu.memory_space<vmem>>, vector<1x64x4096xf32>,
    return
  }
  func.func @transform_0(%arg0: i32, %arg1: i32) -> (i32, i32, i32) {
    %c0_i32 = arith.constant 0 : i32
    %c0_i32_0 = arith.constant 0 : i32
    %c0_i32_1 = arith.constant 0 : i32
    %c0_i32_2 = arith.constant 0 : i32
    return %c0_i32, %c0_i32_0, %c0_i32_1 : i32, i32, i32
  }
  func.func @transform_1(%arg0: i32, %arg1: i32) -> (i32, i32) {
    %mul3A = arith.constant 2 : i32
    %mul3A_0 = arith.muli %arg0, %mul3A : i32
    %add3A = arith.addi %mul3A_0, %arg1 : i32
    %c0_i32 = arith.constant 0 : i32
    %c0_i32_1 = arith.constant 0 : i32
    return %add3A, %c0_i32 : i32, i32
  }
  func.func @transform_2(%arg0: i32, %arg1: i32) -> (i32, i32, i32) {
    %add3A = arith.constant 13 : i32
    %add3A_0 = arith.addi %arg0, %add3A : i32
    %add3A_1 = arith.constant 2 : i32
    %add3A_2 = arith.addi %add3A_1, %arg1 : i32
    %c0_i32 = arith.constant 0 : i32
    %c0_i32_3 = arith.constant 0 : i32
    return %add3A_0, %c0_i32, %add3A_2 : i32, i32, i32
  }
  func.func @transform_3(%arg0: i32, %arg1: i32) -> (i32, i32, i32) {
    %add3A = arith.constant 13 : i32
    %add3A_0 = arith.addi %arg0, %add3A : i32
    %add3A_1 = arith.constant 2 : i32
    %add3A_2 = arith.addi %add3A_1, %arg1 : i32
    %c0_i32 = arith.constant 0 : i32
    %c0_i32_3 = arith.constant 0 : i32
    return %add3A_0, %c0_i32, %add3A_2 : i32, i32, i32
  }
}

</mosaic_0001>

<sc_bundles>
// kernel: kernel.11.cloned.1.call-start
scs
__scs_entry_jumppad:
0x0: {  	(pc) =	sbr.rel $0x88, $3  }
0x1: {  	(tag) =	ssettag $0x0;
	lr =	simm.s32 $0x1  }
0x2: {  	[smem:$0x3F9D] =	sst lr;
	_ =	strace $0xD0000000  }
0x3: {  	_ = 	snop  }
0x4: {  	_ = 	snop  }
0x5: {  	_ = 	snop  }
0x6: {  	_ = 	snop  }
0x7: {  	_ = 	snop  }
__scs_overlays_trampoline_lowered:
0x8: {  	[smem:$0x3FAC] =	sst s0  }
0x9: {  	[smem:$0x3FAD] =	sst s1  }
0xa: {  	[smem:$0x3FAE] =	sst s2  }
0xb: {  	[smem:$0x3FAF] =	sst s3  }
0xc: {  	[smem:$0x3FB0] =	sst s4  }
0xd: {  	[smem:$0x3FB1] =	sst s5  }
0xe: {  	[smem:$0x3FB2] =	sst s6  }
0xf: {  	[smem:$0x3FB3] =	sst s7  }
0x10: {  	[smem:$0x3FB4] =	sst s8  }
0x11: {  	[smem:$0x3FB5] =	sst s9;
	s0 =	simm.s32 @!p0 $0x0  }
0x12: {  	s1 =	sld [smem:$0x3F9B];
	s0 =	simm.s32 @p0 $0x1  }
0x13: {  	[smem:$0x3FB6] =	sst s0;
	s0 =	simm.s32 @!p1 $0x0  }
0x14: {  	s2 =	sld [smem:$0x3F9A];
	s0 =	simm.s32 @p1 $0x1  }
0x15: {  	[smem:$0x3FB7] =	sst s0;
	s0 =	simm.s32 @!p2 $0x0  }
0x16: {  	s3 =	sld [smem:$0x3FDB];
	s0 =	simm.s32 @p2 $0x1  }
0x17: {  	s4 =	simm.s32 $0x1BF5;
	[smem:$0x3FB9] =	sst s0  }
0x18: {  	s0 =	sld [smem:$0x3F9C];
	_ =	swait.ge [sflag:s4], $0x0  }
0x19: {  	s7 =	sld [smem:$0x3F9D]  }
0x1a: {  	s8 =	sadd.s32 $0xFFFFE003, lr  }
0x1b: {  	s9 =	sadd.s32 $0xFFFFFEF7, lr;
	s5 =	simm.s32 $0xFFFFFFFF;
	p2 =	slt.u32 s8, $0xFFFFF086  }
0x1c: {  	p1 =	slt.u32 s9, $0xF7A;
	s5 =	simm.s32 @!p2 $0x0  }
0x1d: {  	s5 =	simm.s32 @p1 $0x1;
	p0 =	seq.s32 s7, s2  }
0x1e: {  	s7 =	smul.u32 @!p0 $0xF7A, s2;
	p2 =	seq.s32 @!p0 s5, $0x0  }
0x1f: {  	s9 =	smul.u32 $0xF7A, s1;
	s8 =	simm.s32 @!p0 $0x1BF5;
	p2 =	por !p2, p0  }
0x20: {  	[sflag:s8] =	ssyncset.s32 @!p0 $0xFFFFF086;
	s6 =	sadd.s32 @!p0 s3, s7;
	s7 =	simm.s32 @!p0 $0x108  }
0x21: {  	s3 =	sadd.s32 s3, s9;
	s6 =	sadd.s32 @!p0 $0x88, s6;
	s7 =	simm.s32 @p2 $0x1082  }
0x22: {  	[simem:s7], [sflag:s8] =	dma.local @!p0 [hbm:s6], $0xF7A  }
0x23: {  	s9 =	sor.u32 $0xD0000000, s2;
	s6 =	simm.s32 $0x108;
	_ =	swait.ge @!p0 [sflag:s8], $0x0  }
0x24: {  	s3 =	sadd.s32 $0x88, s3;
	s6 =	simm.s32 @!p1 $0x1082;
	[sflag:s4] =	ssyncset.s32 $0xFFFFF086  }
0x25: {  	[simem:s6], [sflag:s4] =	dma.local [hbm:s3], $0xF7A  }
0x26: {  	[smem:$0x3F9D] =	sst s1;
	(tag) =	ssettag s2;
	_ =	strace s9  }
0x27: {  	s1 =	sld [smem:$0x3FAD]  }
0x28: {  	s2 =	sld [smem:$0x3FAE]  }
0x29: {  	s4 =	sld [smem:$0x3FB0]  }
0x2a: {  	p0 =	seq.s32 s5, $0x0;
	s5 =	sld [smem:$0x3FB1]  }
0x2b: {  	s6 =	sld [smem:$0x3FB2]  }
0x2c: {  	s7 =	sld [smem:$0x3FB3]  }
0x2d: {  	s3 =	simm.s32 $0x108;
	s8 =	sld [smem:$0x3FB4]  }
0x2e: {  	s3 =	simm.s32 @!p0 $0x1082;
	s9 =	sld [smem:$0x3FB5]  }
0x2f: {  	lr =	sadd.s32 s0, s3;
	s0 =	sld [smem:$0x3FAC]  }
0x30: {  	s3 =	sld [smem:$0x3FAF]  }
0x31: {  	[smem:$0x3FB8] =	sst s10  }
0x32: {  	s10 =	sld [smem:$0x3FB6];
	_ =	sdelay $0x3  }
0x33: {  	p0 =	seq.s32 s10, $0x1;
	s10 =	sld [smem:$0x3FB8];
	_ =	sdelay $0x3  }
0x34: {  	[smem:$0x3FB8] =	sst s10  }
0x35: {  	s10 =	sld [smem:$0x3FB7];
	_ =	sdelay $0x3  }
0x36: {  	p1 =	seq.s32 s10, $0x1;
	s10 =	sld [smem:$0x3FB8];
	_ =	sdelay $0x3  }
0x37: {  	[smem:$0x3FB8] =	sst s10  }
0x38: {  	s10 =	sld [smem:$0x3FB9]  }
0x39: {  	_ = 	snop;
	(pc) =	sbr.ind lr, $3  }
0x3a: {  	_ = 	snop  }
0x3b: {  	_ = 	snop  }
0x3c: {  	p2 =	seq.s32 s10, $0x1;
	s10 =	sld [smem:$0x3FB8]  }
0x3d: {  	_ =	shalt  }
0x3e: {  	_ =	shalt  }
0x3f: {  	_ =	shalt  }
0x40: {  	_ =	shalt  }
0x41: {  	_ =	shalt  }
0x42: {  	_ =	shalt  }
0x43: {  	_ =	shalt  }
0x44: {  	_ =	shalt  }
0x45: {  	_ =	shalt  }
0x46: {  	_ =	shalt  }
0x47: {  	_ =	shalt  }
0x48: {  	_ =	shalt  }
0x49: {  	_ =	shalt  }
0x4a: {  	_ =	shalt  }
0x4b: {  	_ =	shalt  }
0x4c: {  	_ =	shalt  }
0x4d: {  	_ =	shalt  }
0x4e: {  	_ =	shalt  }
0x4f: {  	_ =	shalt  }
0x50: {  	_ =	shalt  }
0x51: {  	_ =	shalt  }
0x52: {  	_ =	shalt  }
0x53: {  	_ =	shalt  }
0x54: {  	_ =	shalt  }
0x55: {  	_ =	shalt  }
0x56: {  	_ =	shalt  }
0x57: {  	_ =	shalt  }
0x58: {  	_ =	shalt  }
0x59: {  	_ =	shalt  }
0x5a: {  	_ =	shalt  }
0x5b: {  	_ =	shalt  }
0x5c: {  	_ =	shalt  }
0x5d: {  	_ =	shalt  }
0x5e: {  	_ =	shalt  }
0x5f: {  	_ =	shalt  }
0x60: {  	_ =	shalt  }
0x61: {  	_ =	shalt  }
0x62: {  	_ =	shalt  }
0x63: {  	_ =	shalt  }
0x64: {  	_ =	shalt  }
0x65: {  	_ =	shalt  }
0x66: {  	_ =	shalt  }
0x67: {  	_ =	shalt  }
0x68: {  	_ =	shalt  }
0x69: {  	_ =	shalt  }
0x6a: {  	_ =	shalt  }
0x6b: {  	_ =	shalt  }
0x6c: {  	_ =	shalt  }
0x6d: {  	_ =	shalt  }
0x6e: {  	_ =	shalt  }
0x6f: {  	_ =	shalt  }
0x70: {  	_ =	shalt  }
0x71: {  	_ =	shalt  }
0x72: {  	_ =	shalt  }
0x73: {  	_ =	shalt  }
0x74: {  	_ =	shalt  }
0x75: {  	_ =	shalt  }
0x76: {  	_ =	shalt  }
0x77: {  	_ =	shalt  }
0x78: {  	_ =	shalt  }
0x79: {  	_ =	shalt  }
0x7a: {  	_ =	shalt  }
0x7b: {  	_ =	shalt  }
0x7c: {  	_ =	shalt  }
0x7d: {  	_ =	shalt  }
0x7e: {  	_ =	shalt  }
0x7f: {  	_ =	shalt  }
0x80: {  	_ =	shalt  }
0x81: {  	_ =	shalt  }
0x82: {  	_ =	shalt  }
0x83: {  	_ =	shalt  }
0x84: {  	_ =	shalt  }
0x85: {  	_ =	shalt  }
0x86: {  	_ =	shalt  }
0x87: {  	_ =	shalt  }
.Lfunc_end0:
.L_simem_size_0:
called_computation_lowered:
.L_overlay_start_0:
0x88: {  	s2 =	sld [smem:$0x3FD9]  }
0x89: {  	s3 =	sld [smem:$0x3FFE];
	_ =	sdelay $0x1  }
0x8a: {  	s1 =	srdreg.scid  }
0x8b: {  	s0 =	sand.u32 $0x1, s1  }
0x8c: {  	s16 =	sshll.u32 s0, $0xA;
	s2 =	sadd.s32 s3, s2  }
0x8d: {  	s2 =	sadd.s32 s2, s16  }
0x8e: {  	[smem:$0x3FC4] =	sst s2  }
0x8f: {  	_ = 	snop  }
0x90: {  	(tm) =	ssettm $0x1  }
0x91: {  	s17 =	sld [smem:$0x3FFB];
	_ =	sdelay $0x3  }
0x92: {  	_ =	strace s17  }
0x93: {  	s2 =	sld [smem:$0x3FFC];
	_ =	sdelay $0x3  }
0x94: {  	_ =	strace s2  }
0x95: {  	s2 =	sld [smem:$0x3FFD];
	_ =	sdelay $0x3  }
0x96: {  	_ =	strace s2  }
0x97: {  	_ =	strace $0x8FFFFFFF  }
0x98: {  	s18 =	sld [smem:$0x3FDB];
	_ =	sdelay $0x1  }
0x99: {  	s19 =	simm.s32 $_scs_section_size  }
0x9a: {  	s4 =	simm.s32 $_size__tile_overlayer_lowered;
	s5 =	simm.s32 $_tile_overlayer_lowered  }
0x9b: {  	s22 =	simm.s32 $0x1BFF;
	s21 =	sshll.u32 s5, $0x1;
	s2 =	sadd.s32 s19, s18  }
0x9c: {  	s6 =	simm.s32 $0x0;
	s20 =	sshll.u32 s4, $0x1;
	s4 =	sadd.s32 s21, s2  }
0x9d: {  	[timem:s6], [sflag:s22] =	dma.local [hbm:s4], s20  }
0x9e: {  	_ =	swait.ge [sflag:s22], s20  }
0x9f: {  	s3 =	ssub.s32 $0x0, s20;
	[sflag:s22] =	ssyncset.done $0x0  }
0xa0: {  	[sflag:s22] =	ssyncadd.s32 s3;
	_ =	sdelay $0x1  }
0xa1: {  	s23 =	simm.s32 $0x1B8B  }
0xa2: {  	_ =	swait.ge [sflag:s23], $0x1  }
0xa3: {  	[sflag:s23] =	ssyncset.done $0x0  }
0xa4: {  	s25 =	simm.s32 $0x1B8E;
	s24 =	sld [smem:$0x3FFE];
	[sflag:s23] =	ssyncadd.s32 $0xFFFFFFFF  }
0xa5: {  	s26 =	simm.s32 $execute0_lowered;
	[smem:$0x3FD2] =	sst s25  }
0xa6: {  	s4 =	sshll.u32 s26, $0x1;
	_ =	strace $0x80000046;
	[dreg:$0x1] =	wrdreg $0xFFFFFFFF  }
0xa7: {  	s28 =	simm.s32 $_size_execute0_lowered;
	s2 =	sadd.s32 s2, s4;
	[dreg:$0x0] =	wrdreg $0x0  }
0xa8: {  	s4 =	sshll.u32 s28, $0x1;
	[dreg:$0x2] =	wrdreg s2  }
0xa9: {  	[dreg:$0x3] =	wrdreg s4  }
0xaa: {  	[dreg:$0x4] =	wrdreg $0xC0  }
0xab: {  	_ =	task [dreg:s6], $0x5FFFF  }
0xac: {  	[dreg:$0x1] =	wrdreg $0xFFFFFFFF  }
0xad: {  	[dreg:$0x0] =	wrdreg $0x60  }
0xae: {  	[dreg:$0x2] =	wrdreg s24  }
0xaf: {  	[dreg:$0x3] =	wrdreg $0x9  }
0xb0: {  	_ =	task.clear_ibuf [dreg:s6], $0x4FFFF;
	_ =	strace $0x90000046  }
0xb1: {  	s29 =	simm.s32 $0x9;
	_ =	strace $0x80000048  }
0xb2: {  	_ =	swait.ge [sflag:s29], $0x1  }
0xb3: {  	[sflag:s29] =	ssyncadd.s32 $0xFFFFFFFF  }
0xb4: {  	_ =	strace $0x90000048  }
0xb5: {  	_ =	sfence  }
0xb6: {  	s30 =	sld [smem:$0x0];
	_ =	sdelay $0x2  }
0xb7: {  	s31 =	sshll.u32 s1, $0xD;
	s1 =	sshrl.u32 s1, $0x2  }
0xb8: {  	s3 =	sand.u32 $0x4000, s31;
	s1 =	sadd.s32 s1, s30  }
0xb9: {  	s0 =	sor.u32 s3, s0;
	s1 =	sshll.u32 s1, $0x11  }
0xba: {  	s0 =	sor.u32 s1, s0  }
0xbb: {  	s0 =	sadd.s32 $0x8F2B, s0  }
0xbc: {  	[sflag:s0] =	ssyncadd.remote.s32 $0x1  }
0xbd: {  	_ =	sfence.sel $0xFFFF  }
0xbe: {  	[dreg:$0x0] =	wrdreg $0xFFFFFFFF;
	(pc) =	sbr.abs _section_cstart, $3  }
0xbf: {  	[dreg:$0x1] =	wrdreg $0xFFFFFFFF  }
0xc0: {  	_ =	task.clear_ibuf [dreg:s6], $0x2FFFF;
	_ =	strace $0x9FFFFFFF  }
0xc1: {  	(tm) =	ssettm $0x7FFFFFFF  }
tec
execute0_lowered:
.L_overlay_start_1:
0x0: {  	(tag) =	ssettag $0x1  }
0x1: {  	s1 =	srdreg.scid;
	s0 =	stileid.u32  }
0x2: {  	s26 =	sand.u32 $0x1, s1;
	s31 =	sshll.u32 s0, $0x1  }
0x3: {  	s12 =	sor.u32 s26, s31  }
0x4: {  	s3 =	smul.u32 $0xD00, s12  }
0x5: {  	s15 =	rddreg [dreg:$0x0]  }
0x6: {  	s2 =	simm.s32 $0x0;
	s1 =	rddreg [dreg:$0x1];
	s3 =	sshrl.u32 s3, $0x3  }
0x7: {  	[smem:$0x7FF] =	sst s2;
	s24 =	sadd.s32 s3, s15  }
0x8: {  	_ =	strace $0x80000047;
	s3 =	simm.s32 $0x3;
	s4 =	sadd.s32 $0x9A00, s24  }
0x9: {  	[tilespmem:s2], [sflag:$0x3] =	stream.linear.gather [hbm4b:s4+s2], $0x1A0, $0x38;
	[tilespmem:$0x1A400] =	vst v63  }
0xa: {  	_ =	swait.ge [sflag:s3], $0x1A0  }
0xb: {  	s6 =	simm.s32 $0x1A0;
	[sflag:s3] =	ssyncset.done $0x0  }
0xc: {  	s7 =	simm.s32 $0x400;
	s5 =	sadd.s32 $0xCE00, s15;
	[sflag:s3] =	ssyncadd.s32 $0xFFFFFE60  }
0xd: {  	[tilespmem:s7], [sflag:$0x1] =	stream.indirect.gather [hbm4b:s5+s6], $0x80, s2, s6, $0xb8;
	[tilespmem:$0x1A400] =	vst v63  }
0xe: {  	s9 =	simm.s32 $0x200;
	s8 =	sadd.s32 $0x9A34, s24  }
0xf: {  	[tilespmem:s9], [sflag:$0x3] =	stream.linear.gather [hbm4b:s8+s2], $0x1A0, $0x38;
	[tilespmem:$0x1A400] =	vst v63  }
0x10: {  	_ =	swait.ge [sflag:s3], $0x1A0  }
0x11: {  	[sflag:s3] =	ssyncset.done $0x0  }
0x12: {  	s10 =	simm.s32 $0xD400;
	s11 =	simm.s32 $0x1;
	[sflag:s3] =	ssyncadd.s32 $0xFFFFFE60  }
0x13: {  	[tilespmem:s10], [sflag:$0x2] =	stream.indirect.gather [hbm4b:s5+s6], $0x80, s9, s6, $0xb8;
	[tilespmem:$0x1A400] =	vst v63  }
0x14: {  	s28 =	smul.u32 $0xD000, s12;
	_ =	swait.ge [sflag:s11], $0xD000  }
0x15: {  	s25 =	sadd.s32 $0x7AF200, s15;
	[sflag:s11] =	ssyncset.done $0x0  }
0x16: {  	s12 =	sadd.s32 s25, s28;
	[sflag:s11] =	ssyncadd.s32 $0xFFFF3000  }
0x17: {  	[hbm4b:s12+s2] =	stream.linear.scatter [tilespmem:s7], [sflag:$0x3], $0xD000, $0x38;
	[tilespmem:$0x1A400] =	vst v63  }
0x18: {  	_ =	swait.ge [sflag:s3], $0xD000  }
0x19: {  	[sflag:s3] =	ssyncset.done $0x0  }
0x1a: {  	s13 =	sadd.s32 $0x9A68, s24;
	[sflag:s3] =	ssyncadd.s32 $0xFFFF3000  }
0x1b: {  	[tilespmem:s2], [sflag:$0x3] =	stream.linear.gather [hbm4b:s13+s2], $0x1A0, $0x38;
	[tilespmem:$0x1A400] =	vst v63  }
0x1c: {  	_ =	swait.ge [sflag:s3], $0x1A0  }
0x1d: {  	[sflag:s3] =	ssyncset.done $0x0  }
0x1e: {  	s14 =	simm.s32 $0x2;
	[sflag:s3] =	ssyncadd.s32 $0xFFFFFE60  }
0x1f: {  	[tilespmem:s7], [sflag:$0x1] =	stream.indirect.gather [hbm4b:s5+s6], $0x80, s2, s6, $0xb8;
	[tilespmem:$0x1A400] =	vst v63  }
0x20: {  	_ =	swait.ge [sflag:s14], $0xD000  }
0x21: {  	s29 =	sadd.s32 $0x7B0C00, s15;
	[sflag:s14] =	ssyncset.done $0x0  }
0x22: {  	s15 =	sadd.s32 s28, s29;
	[sflag:s14] =	ssyncadd.s32 $0xFFFF3000  }
0x23: {  	[hbm4b:s15+s2] =	stream.linear.scatter [tilespmem:s10], [sflag:$0x3], $0xD000, $0x38;
	[tilespmem:$0x1A400] =	vst v63  }
0x24: {  	_ =	swait.ge [sflag:s3], $0xD000  }
0x25: {  	[sflag:s3] =	ssyncset.done $0x0  }
0x26: {  	s16 =	sadd.s32 $0x9A9C, s24;
	[sflag:s3] =	ssyncadd.s32 $0xFFFF3000  }
0x27: {  	[tilespmem:s9], [sflag:$0x3] =	stream.linear.gather [hbm4b:s16+s2], $0x1A0, $0x38;
	[tilespmem:$0x1A400] =	vst v63  }
0x28: {  	_ =	swait.ge [sflag:s3], $0x1A0  }
0x29: {  	[sflag:s3] =	ssyncset.done $0x0  }
0x2a: {  	[sflag:s3] =	ssyncadd.s32 $0xFFFFFE60  }
0x2b: {  	[tilespmem:s10], [sflag:$0x2] =	stream.indirect.gather [hbm4b:s5+s6], $0x80, s9, s6, $0xb8;
	[tilespmem:$0x1A400] =	vst v63  }
0x2c: {  	_ =	swait.ge [sflag:s11], $0xD000  }
0x2d: {  	s19 =	sadd.s32 $0x3400, s28;
	[sflag:s11] =	ssyncset.done $0x0  }
0x2e: {  	s17 =	sadd.s32 s25, s19;
	[sflag:s11] =	ssyncadd.s32 $0xFFFF3000  }
0x2f: {  	[hbm4b:s17+s2] =	stream.linear.scatter [tilespmem:s7], [sflag:$0x3], $0xD000, $0x38;
	[tilespmem:$0x1A400] =	vst v63  }
0x30: {  	_ =	swait.ge [sflag:s3], $0xD000  }
0x31: {  	[sflag:s3] =	ssyncset.done $0x0  }
0x32: {  	s18 =	sadd.s32 $0x9AD0, s24;
	[sflag:s3] =	ssyncadd.s32 $0xFFFF3000  }
0x33: {  	[tilespmem:s2], [sflag:$0x3] =	stream.linear.gather [hbm4b:s18+s2], $0x1A0, $0x38;
	[tilespmem:$0x1A400] =	vst v63  }
0x34: {  	_ =	swait.ge [sflag:s3], $0x1A0  }
0x35: {  	[sflag:s3] =	ssyncset.done $0x0  }
0x36: {  	[sflag:s3] =	ssyncadd.s32 $0xFFFFFE60  }
0x37: {  	[tilespmem:s7], [sflag:$0x1] =	stream.indirect.gather [hbm4b:s5+s6], $0x80, s2, s6, $0xb8;
	[tilespmem:$0x1A400] =	vst v63  }
0x38: {  	_ =	swait.ge [sflag:s14], $0xD000  }
0x39: {  	[sflag:s14] =	ssyncset.done $0x0  }
0x3a: {  	s19 =	sadd.s32 s19, s29;
	[sflag:s14] =	ssyncadd.s32 $0xFFFF3000  }
0x3b: {  	[hbm4b:s19+s2] =	stream.linear.scatter [tilespmem:s10], [sflag:$0x3], $0xD000, $0x38;
	[tilespmem:$0x1A400] =	vst v63  }
0x3c: {  	_ =	swait.ge [sflag:s3], $0xD000  }
0x3d: {  	[sflag:s3] =	ssyncset.done $0x0  }
0x3e: {  	s20 =	sadd.s32 $0x9B04, s24;
	[sflag:s3] =	ssyncadd.s32 $0xFFFF3000  }
0x3f: {  	[tilespmem:s9], [sflag:$0x3] =	stream.linear.gather [hbm4b:s20+s2], $0x1A0, $0x38;
	[tilespmem:$0x1A400] =	vst v63  }
0x40: {  	_ =	swait.ge [sflag:s3], $0x1A0  }
0x41: {  	[sflag:s3] =	ssyncset.done $0x0  }
0x42: {  	[sflag:s3] =	ssyncadd.s32 $0xFFFFFE60  }
0x43: {  	[tilespmem:s10], [sflag:$0x2] =	stream.indirect.gather [hbm4b:s5+s6], $0x80, s9, s6, $0xb8;
	[tilespmem:$0x1A400] =	vst v63  }
0x44: {  	_ =	swait.ge [sflag:s11], $0xD000  }
0x45: {  	s23 =	sadd.s32 $0x6800, s28;
	[sflag:s11] =	ssyncset.done $0x0  }
0x46: {  	s21 =	sadd.s32 s25, s23;
	[sflag:s11] =	ssyncadd.s32 $0xFFFF3000  }
0x47: {  	[hbm4b:s21+s2] =	stream.linear.scatter [tilespmem:s7], [sflag:$0x3], $0xD000, $0x38;
	[tilespmem:$0x1A400] =	vst v63  }
0x48: {  	_ =	swait.ge [sflag:s3], $0xD000  }
0x49: {  	[sflag:s3] =	ssyncset.done $0x0  }
0x4a: {  	s22 =	sadd.s32 $0x9B38, s24;
	[sflag:s3] =	ssyncadd.s32 $0xFFFF3000  }
0x4b: {  	[tilespmem:s2], [sflag:$0x3] =	stream.linear.gather [hbm4b:s22+s2], $0x1A0, $0x38;
	[tilespmem:$0x1A400] =	vst v63  }
0x4c: {  	_ =	swait.ge [sflag:s3], $0x1A0  }
0x4d: {  	[sflag:s3] =	ssyncset.done $0x0  }
0x4e: {  	[sflag:s3] =	ssyncadd.s32 $0xFFFFFE60  }
0x4f: {  	[tilespmem:s7], [sflag:$0x1] =	stream.indirect.gather [hbm4b:s5+s6], $0x80, s2, s6, $0xb8;
	[tilespmem:$0x1A400] =	vst v63  }
0x50: {  	_ =	swait.ge [sflag:s14], $0xD000  }
0x51: {  	[sflag:s14] =	ssyncset.done $0x0  }
0x52: {  	s23 =	sadd.s32 s23, s29;
	[sflag:s14] =	ssyncadd.s32 $0xFFFF3000  }
0x53: {  	[hbm4b:s23+s2] =	stream.linear.scatter [tilespmem:s10], [sflag:$0x3], $0xD000, $0x38;
	[tilespmem:$0x1A400] =	vst v63  }
0x54: {  	_ =	swait.ge [sflag:s3], $0xD000  }
0x55: {  	[sflag:s3] =	ssyncset.done $0x0  }
0x56: {  	s24 =	sadd.s32 $0x9B6C, s24;
	[sflag:s3] =	ssyncadd.s32 $0xFFFF3000  }
0x57: {  	[tilespmem:s9], [sflag:$0x3] =	stream.linear.gather [hbm4b:s24+s2], $0x1A0, $0x38;
	[tilespmem:$0x1A400] =	vst v63  }
0x58: {  	_ =	swait.ge [sflag:s3], $0x1A0  }
0x59: {  	[sflag:s3] =	ssyncset.done $0x0  }
0x5a: {  	[sflag:s3] =	ssyncadd.s32 $0xFFFFFE60  }
0x5b: {  	[tilespmem:s10], [sflag:$0x2] =	stream.indirect.gather [hbm4b:s5+s6], $0x80, s9, s6, $0xb8;
	[tilespmem:$0x1A400] =	vst v63  }
0x5c: {  	_ =	swait.ge [sflag:s11], $0xD000  }
0x5d: {  	s28 =	sadd.s32 $0x9C00, s28;
	[sflag:s11] =	ssyncset.done $0x0  }
0x5e: {  	s26 =	ssub.s32 $0x2, s26;
	s25 =	sadd.s32 s25, s28;
	[sflag:s11] =	ssyncadd.s32 $0xFFFF3000  }
0x5f: {  	[hbm4b:s25+s2] =	stream.linear.scatter [tilespmem:s7], [sflag:$0x3], $0xD000, $0x38;
	[tilespmem:$0x1A400] =	vst v63  }
0x60: {  	s30 =	sshrl.u32 s26, $0x1;
	_ =	swait.ge [sflag:s3], $0xD000  }
0x61: {  	s30 =	ssub.s32 s26, s30;
	[sflag:s3] =	ssyncset.done $0x0  }
0x62: {  	s26 =	sadd.s32 s28, s29;
	s28 =	smax.u32 s30, $0x1;
	[sflag:s3] =	ssyncadd.s32 $0xFFFF3000  }
0x63: {  	p0 =	sne.s32 s28, $0x1;
	_ =	swait.ge [sflag:s14], $0xD000  }
.Ltmp0:
0x64: {  	[sflag:s14] =	ssyncset.done $0x0;
	(pc) =	sbr.rel @!p0 .LBB2_2-.Ltmp0, $4  }
0x65: {  	[sflag:s14] =	ssyncadd.s32 $0xFFFF3000  }
0x66: {  	[hbm4b:s26+s2] =	stream.linear.scatter [tilespmem:s10], [sflag:$0x3], $0xD000, $0x38;
	[tilespmem:$0x1A400] =	vst v63  }
0x67: {  	_ =	swait.ge [sflag:s3], $0xD000  }
0x68: {  	s28 =	sadd.s32 $0xFFFFFFFF, s28;
	[sflag:s3] =	ssyncset.done $0x0  }
.LBB2_1:
0x69: {  	p0 =	sne.s32 s28, $0x1;
	s28 =	sadd.s32 $0xFFFFFFFF, s28;
	[sflag:s3] =	ssyncadd.s32 $0xFFFF3000  }
0x6a: {  	[tilespmem:s2], [sflag:$0x3] =	stream.linear.gather [hbm4b:s4+s2], $0x1A0, $0x38;
	[tilespmem:$0x1A400] =	vst v63  }
0x6b: {  	_ =	swait.ge [sflag:s3], $0x1A0  }
0x6c: {  	[sflag:s3] =	ssyncset.done $0x0  }
0x6d: {  	[sflag:s3] =	ssyncadd.s32 $0xFFFFFE60  }
0x6e: {  	[tilespmem:s7], [sflag:$0x1] =	stream.indirect.gather [hbm4b:s5+s6], $0x80, s2, s6, $0xb8;
	[tilespmem:$0x1A400] =	vst v63  }
0x6f: {  	_ = 	snop  }
0x70: {  	[tilespmem:s9], [sflag:$0x3] =	stream.linear.gather [hbm4b:s8+s2], $0x1A0, $0x38;
	[tilespmem:$0x1A400] =	vst v63  }
0x71: {  	_ =	swait.ge [sflag:s3], $0x1A0  }
0x72: {  	[sflag:s3] =	ssyncset.done $0x0  }
0x73: {  	[sflag:s3] =	ssyncadd.s32 $0xFFFFFE60  }
0x74: {  	[tilespmem:s10], [sflag:$0x2] =	stream.indirect.gather [hbm4b:s5+s6], $0x80, s9, s6, $0xb8;
	[tilespmem:$0x1A400] =	vst v63  }
0x75: {  	_ =	swait.ge [sflag:s11], $0xD000  }
0x76: {  	[sflag:s11] =	ssyncset.done $0x0  }
0x77: {  	[sflag:s11] =	ssyncadd.s32 $0xFFFF3000  }
0x78: {  	[hbm4b:s12+s2] =	stream.linear.scatter [tilespmem:s7], [sflag:$0x3], $0xD000, $0x38;
	[tilespmem:$0x1A400] =	vst v63  }
0x79: {  	_ =	swait.ge [sflag:s3], $0xD000  }
0x7a: {  	[sflag:s3] =	ssyncset.done $0x0  }
0x7b: {  	[sflag:s3] =	ssyncadd.s32 $0xFFFF3000  }
0x7c: {  	[tilespmem:s2], [sflag:$0x3] =	stream.linear.gather [hbm4b:s13+s2], $0x1A0, $0x38;
	[tilespmem:$0x1A400] =	vst v63  }
0x7d: {  	_ =	swait.ge [sflag:s3], $0x1A0  }
0x7e: {  	[sflag:s3] =	ssyncset.done $0x0  }
0x7f: {  	[sflag:s3] =	ssyncadd.s32 $0xFFFFFE60  }
0x80: {  	[tilespmem:s7], [sflag:$0x1] =	stream.indirect.gather [hbm4b:s5+s6], $0x80, s2, s6, $0xb8;
	[tilespmem:$0x1A400] =	vst v63  }
0x81: {  	_ =	swait.ge [sflag:s14], $0xD000  }
0x82: {  	[sflag:s14] =	ssyncset.done $0x0  }
0x83: {  	[sflag:s14] =	ssyncadd.s32 $0xFFFF3000  }
0x84: {  	[hbm4b:s15+s2] =	stream.linear.scatter [tilespmem:s10], [sflag:$0x3], $0xD000, $0x38;
	[tilespmem:$0x1A400] =	vst v63  }
0x85: {  	_ =	swait.ge [sflag:s3], $0xD000  }
0x86: {  	[sflag:s3] =	ssyncset.done $0x0  }
0x87: {  	[sflag:s3] =	ssyncadd.s32 $0xFFFF3000  }
0x88: {  	[tilespmem:s9], [sflag:$0x3] =	stream.linear.gather [hbm4b:s16+s2], $0x1A0, $0x38;
	[tilespmem:$0x1A400] =	vst v63  }
0x89: {  	_ =	swait.ge [sflag:s3], $0x1A0  }
0x8a: {  	[sflag:s3] =	ssyncset.done $0x0  }
0x8b: {  	[sflag:s3] =	ssyncadd.s32 $0xFFFFFE60  }
0x8c: {  	[tilespmem:s10], [sflag:$0x2] =	stream.indirect.gather [hbm4b:s5+s6], $0x80, s9, s6, $0xb8;
	[tilespmem:$0x1A400] =	vst v63  }
0x8d: {  	_ =	swait.ge [sflag:s11], $0xD000  }
0x8e: {  	[sflag:s11] =	ssyncset.done $0x0  }
0x8f: {  	[sflag:s11] =	ssyncadd.s32 $0xFFFF3000  }
0x90: {  	[hbm4b:s17+s2] =	stream.linear.scatter [tilespmem:s7], [sflag:$0x3], $0xD000, $0x38;
	[tilespmem:$0x1A400] =	vst v63  }
0x91: {  	_ =	swait.ge [sflag:s3], $0xD000  }
0x92: {  	[sflag:s3] =	ssyncset.done $0x0  }
0x93: {  	[sflag:s3] =	ssyncadd.s32 $0xFFFF3000  }
0x94: {  	[tilespmem:s2], [sflag:$0x3] =	stream.linear.gather [hbm4b:s18+s2], $0x1A0, $0x38;
	[tilespmem:$0x1A400] =	vst v63  }
0x95: {  	_ =	swait.ge [sflag:s3], $0x1A0  }
0x96: {  	[sflag:s3] =	ssyncset.done $0x0  }
0x97: {  	[sflag:s3] =	ssyncadd.s32 $0xFFFFFE60  }
0x98: {  	[tilespmem:s7], [sflag:$0x1] =	stream.indirect.gather [hbm4b:s5+s6], $0x80, s2, s6, $0xb8;
	[tilespmem:$0x1A400] =	vst v63  }
0x99: {  	_ =	swait.ge [sflag:s14], $0xD000  }
0x9a: {  	[sflag:s14] =	ssyncset.done $0x0  }
0x9b: {  	[sflag:s14] =	ssyncadd.s32 $0xFFFF3000  }
0x9c: {  	[hbm4b:s19+s2] =	stream.linear.scatter [tilespmem:s10], [sflag:$0x3], $0xD000, $0x38;
	[tilespmem:$0x1A400] =	vst v63  }
0x9d: {  	_ =	swait.ge [sflag:s3], $0xD000  }
0x9e: {  	[sflag:s3] =	ssyncset.done $0x0  }
0x9f: {  	[sflag:s3] =	ssyncadd.s32 $0xFFFF3000  }
0xa0: {  	[tilespmem:s9], [sflag:$0x3] =	stream.linear.gather [hbm4b:s20+s2], $0x1A0, $0x38;
	[tilespmem:$0x1A400] =	vst v63  }
0xa1: {  	_ =	swait.ge [sflag:s3], $0x1A0  }
0xa2: {  	[sflag:s3] =	ssyncset.done $0x0  }
0xa3: {  	[sflag:s3] =	ssyncadd.s32 $0xFFFFFE60  }
0xa4: {  	[tilespmem:s10], [sflag:$0x2] =	stream.indirect.gather [hbm4b:s5+s6], $0x80, s9, s6, $0xb8;
	[tilespmem:$0x1A400] =	vst v63  }
0xa5: {  	_ =	swait.ge [sflag:s11], $0xD000  }
0xa6: {  	[sflag:s11] =	ssyncset.done $0x0  }
0xa7: {  	[sflag:s11] =	ssyncadd.s32 $0xFFFF3000  }
0xa8: {  	[hbm4b:s21+s2] =	stream.linear.scatter [tilespmem:s7], [sflag:$0x3], $0xD000, $0x38;
	[tilespmem:$0x1A400] =	vst v63  }
0xa9: {  	_ =	swait.ge [sflag:s3], $0xD000  }
0xaa: {  	[sflag:s3] =	ssyncset.done $0x0  }
0xab: {  	[sflag:s3] =	ssyncadd.s32 $0xFFFF3000  }
0xac: {  	[tilespmem:s2], [sflag:$0x3] =	stream.linear.gather [hbm4b:s22+s2], $0x1A0, $0x38;
	[tilespmem:$0x1A400] =	vst v63  }
0xad: {  	_ =	swait.ge [sflag:s3], $0x1A0  }
0xae: {  	[sflag:s3] =	ssyncset.done $0x0  }
0xaf: {  	[sflag:s3] =	ssyncadd.s32 $0xFFFFFE60  }
0xb0: {  	[tilespmem:s7], [sflag:$0x1] =	stream.indirect.gather [hbm4b:s5+s6], $0x80, s2, s6, $0xb8;
	[tilespmem:$0x1A400] =	vst v63  }
0xb1: {  	_ =	swait.ge [sflag:s14], $0xD000  }
0xb2: {  	[sflag:s14] =	ssyncset.done $0x0  }
0xb3: {  	[sflag:s14] =	ssyncadd.s32 $0xFFFF3000  }
0xb4: {  	[hbm4b:s23+s2] =	stream.linear.scatter [tilespmem:s10], [sflag:$0x3], $0xD000, $0x38;
	[tilespmem:$0x1A400] =	vst v63  }
0xb5: {  	_ =	swait.ge [sflag:s3], $0xD000  }
0xb6: {  	[sflag:s3] =	ssyncset.done $0x0  }
0xb7: {  	[sflag:s3] =	ssyncadd.s32 $0xFFFF3000  }
0xb8: {  	[tilespmem:s9], [sflag:$0x3] =	stream.linear.gather [hbm4b:s24+s2], $0x1A0, $0x38;
	[tilespmem:$0x1A400] =	vst v63  }
0xb9: {  	_ =	swait.ge [sflag:s3], $0x1A0  }
0xba: {  	[sflag:s3] =	ssyncset.done $0x0  }
0xbb: {  	[sflag:s3] =	ssyncadd.s32 $0xFFFFFE60  }
0xbc: {  	[tilespmem:s10], [sflag:$0x2] =	stream.indirect.gather [hbm4b:s5+s6], $0x80, s9, s6, $0xb8;
	[tilespmem:$0x1A400] =	vst v63  }
0xbd: {  	_ =	swait.ge [sflag:s11], $0xD000  }
0xbe: {  	[sflag:s11] =	ssyncset.done $0x0  }
0xbf: {  	[sflag:s11] =	ssyncadd.s32 $0xFFFF3000  }
0xc0: {  	[hbm4b:s25+s2] =	stream.linear.scatter [tilespmem:s7], [sflag:$0x3], $0xD000, $0x38;
	[tilespmem:$0x1A400] =	vst v63  }
0xc1: {  	_ =	swait.ge [sflag:s3], $0xD000  }
0xc2: {  	[sflag:s3] =	ssyncset.done $0x0  }
0xc3: {  	[sflag:s3] =	ssyncadd.s32 $0xFFFF3000  }
0xc4: {  	_ =	swait.ge [sflag:s14], $0xD000  }
.Ltmp1:
0xc5: {  	[sflag:s14] =	ssyncset.done $0x0;
	(pc) =	sbr.rel @p0 .LBB2_1-.Ltmp1, $4  }
0xc6: {  	[sflag:s14] =	ssyncadd.s32 $0xFFFF3000  }
0xc7: {  	[hbm4b:s26+s2] =	stream.linear.scatter [tilespmem:s10], [sflag:$0x3], $0xD000, $0x38;
	[tilespmem:$0x1A400] =	vst v63  }
0xc8: {  	_ =	swait.ge [sflag:s3], $0xD000  }
0xc9: {  	[sflag:s3] =	ssyncset.done $0x0  }
.LBB2_2:
0xca: {  	[sflag:s3] =	ssyncadd.s32 $0xFFFF3000  }
0xcb: {  	_ =	sfence.sel $0x180000  }
0xcc: {  	[bflag:$0x0] =	sbarrier.arrive $0xFFFF  }
0xcd: {  	p0 =	sne.s32 s0, $0x0;
	_ =	strace $0x90000047  }
0xce: {  	s0 =	sadd.s32 @!p0 $0x100000, s1;
	[bflag:$0x2] =	sbarrier.arrive $0xFFFF  }
0xcf: {  	[sflag:s0] =	ssyncadd.tile.s32 @!p0 $0x1;
	_ =	shalt  }
.Lfunc_end2:
_tile_overlayer_lowered:
.L_overlay_start_2:
0xd0: {  	(tag) =	ssettag $0x2  }
0xd1: {  	s0 =	rddreg [dreg:$0x0];
	s2 =	stileid.u32  }
0xd2: {  	s1 =	rddreg [dreg:$0x1];
	p0 =	sne.s32 s2, $0x0  }
0xd3: {  	s3 =	rddreg [dreg:$0x2];
	[bflag:$0x3] =	sbarrier.arrive $0xFFFF;
	s2 =	simm.s32 @!p0 $0x1C03  }
0xd4: {  	[timem:s3], [sflag:s2] =	dma.local @!p0 [hbm:s0], s1  }
0xd5: {  	s0 =	simm.s32 @!p0 $0x3  }
0xd6: {  	_ =	swait.ge @!p0 [sflag:s0], s1  }
0xd7: {  	s1 =	ssub.s32 @!p0 $0x0, s1;
	[sflag:s0] =	ssyncset.done @!p0 $0x0  }
0xd8: {  	[sflag:s0] =	ssyncadd.s32 @!p0 s1  }
0xd9: {  	[bflag:$0x3] =	sbarrier.arrive $0xFFFF  }
0xda: {  	_ =	shalt  }

// kernel: kernel.14.cloned.1.call-start
scs
__scs_entry_jumppad:
0x0: {  	(pc) =	sbr.rel $0x88, $3  }
0x1: {  	(tag) =	ssettag $0x0;
	lr =	simm.s32 $0x1  }
0x2: {  	[smem:$0x3F9D] =	sst lr;
	_ =	strace $0xD0000000  }
0x3: {  	_ = 	snop  }
0x4: {  	_ = 	snop  }
0x5: {  	_ = 	snop  }
0x6: {  	_ = 	snop  }
0x7: {  	_ = 	snop  }
__scs_overlays_trampoline_lowered:
0x8: {  	[smem:$0x3FAC] =	sst s0  }
0x9: {  	[smem:$0x3FAD] =	sst s1  }
0xa: {  	[smem:$0x3FAE] =	sst s2  }
0xb: {  	[smem:$0x3FAF] =	sst s3  }
0xc: {  	[smem:$0x3FB0] =	sst s4  }
0xd: {  	[smem:$0x3FB1] =	sst s5  }
0xe: {  	[smem:$0x3FB2] =	sst s6  }
0xf: {  	[smem:$0x3FB3] =	sst s7  }
0x10: {  	[smem:$0x3FB4] =	sst s8  }
0x11: {  	[smem:$0x3FB5] =	sst s9;
	s0 =	simm.s32 @!p0 $0x0  }
0x12: {  	s1 =	sld [smem:$0x3F9B];
	s0 =	simm.s32 @p0 $0x1  }
0x13: {  	[smem:$0x3FB6] =	sst s0;
	s0 =	simm.s32 @!p1 $0x0  }
0x14: {  	s2 =	sld [smem:$0x3F9A];
	s0 =	simm.s32 @p1 $0x1  }
0x15: {  	[smem:$0x3FB7] =	sst s0;
	s0 =	simm.s32 @!p2 $0x0  }
0x16: {  	s3 =	sld [smem:$0x3FDB];
	s0 =	simm.s32 @p2 $0x1  }
0x17: {  	s4 =	simm.s32 $0x1BF5;
	[smem:$0x3FB9] =	sst s0  }
0x18: {  	s0 =	sld [smem:$0x3F9C];
	_ =	swait.ge [sflag:s4], $0x0  }
0x19: {  	s7 =	sld [smem:$0x3F9D]  }
0x1a: {  	s8 =	sadd.s32 $0xFFFFE003, lr  }
0x1b: {  	s9 =	sadd.s32 $0xFFFFFEF7, lr;
	s5 =	simm.s32 $0xFFFFFFFF;
	p2 =	slt.u32 s8, $0xFFFFF086  }
0x1c: {  	p1 =	slt.u32 s9, $0xF7A;
	s5 =	simm.s32 @!p2 $0x0  }
0x1d: {  	s5 =	simm.s32 @p1 $0x1;
	p0 =	seq.s32 s7, s2  }
0x1e: {  	s7 =	smul.u32 @!p0 $0xF7A, s2;
	p2 =	seq.s32 @!p0 s5, $0x0  }
0x1f: {  	s9 =	smul.u32 $0xF7A, s1;
	s8 =	simm.s32 @!p0 $0x1BF5;
	p2 =	por !p2, p0  }
0x20: {  	[sflag:s8] =	ssyncset.s32 @!p0 $0xFFFFF086;
	s6 =	sadd.s32 @!p0 s3, s7;
	s7 =	simm.s32 @!p0 $0x108  }
0x21: {  	s3 =	sadd.s32 s3, s9;
	s6 =	sadd.s32 @!p0 $0x88, s6;
	s7 =	simm.s32 @p2 $0x1082  }
0x22: {  	[simem:s7], [sflag:s8] =	dma.local @!p0 [hbm:s6], $0xF7A  }
0x23: {  	s9 =	sor.u32 $0xD0000000, s2;
	s6 =	simm.s32 $0x108;
	_ =	swait.ge @!p0 [sflag:s8], $0x0  }
0x24: {  	s3 =	sadd.s32 $0x88, s3;
	s6 =	simm.s32 @!p1 $0x1082;
	[sflag:s4] =	ssyncset.s32 $0xFFFFF086  }
0x25: {  	[simem:s6], [sflag:s4] =	dma.local [hbm:s3], $0xF7A  }
0x26: {  	[smem:$0x3F9D] =	sst s1;
	(tag) =	ssettag s2;
	_ =	strace s9  }
0x27: {  	s1 =	sld [smem:$0x3FAD]  }
0x28: {  	s2 =	sld [smem:$0x3FAE]  }
0x29: {  	s4 =	sld [smem:$0x3FB0]  }
0x2a: {  	p0 =	seq.s32 s5, $0x0;
	s5 =	sld [smem:$0x3FB1]  }
0x2b: {  	s6 =	sld [smem:$0x3FB2]  }
0x2c: {  	s7 =	sld [smem:$0x3FB3]  }
0x2d: {  	s3 =	simm.s32 $0x108;
	s8 =	sld [smem:$0x3FB4]  }
0x2e: {  	s3 =	simm.s32 @!p0 $0x1082;
	s9 =	sld [smem:$0x3FB5]  }
0x2f: {  	lr =	sadd.s32 s0, s3;
	s0 =	sld [smem:$0x3FAC]  }
0x30: {  	s3 =	sld [smem:$0x3FAF]  }
0x31: {  	[smem:$0x3FB8] =	sst s10  }
0x32: {  	s10 =	sld [smem:$0x3FB6];
	_ =	sdelay $0x3  }
0x33: {  	p0 =	seq.s32 s10, $0x1;
	s10 =	sld [smem:$0x3FB8];
	_ =	sdelay $0x3  }
0x34: {  	[smem:$0x3FB8] =	sst s10  }
0x35: {  	s10 =	sld [smem:$0x3FB7];
	_ =	sdelay $0x3  }
0x36: {  	p1 =	seq.s32 s10, $0x1;
	s10 =	sld [smem:$0x3FB8];
	_ =	sdelay $0x3  }
0x37: {  	[smem:$0x3FB8] =	sst s10  }
0x38: {  	s10 =	sld [smem:$0x3FB9]  }
0x39: {  	_ = 	snop;
	(pc) =	sbr.ind lr, $3  }
0x3a: {  	_ = 	snop  }
0x3b: {  	_ = 	snop  }
0x3c: {  	p2 =	seq.s32 s10, $0x1;
	s10 =	sld [smem:$0x3FB8]  }
0x3d: {  	_ =	shalt  }
0x3e: {  	_ =	shalt  }
0x3f: {  	_ =	shalt  }
0x40: {  	_ =	shalt  }
0x41: {  	_ =	shalt  }
0x42: {  	_ =	shalt  }
0x43: {  	_ =	shalt  }
0x44: {  	_ =	shalt  }
0x45: {  	_ =	shalt  }
0x46: {  	_ =	shalt  }
0x47: {  	_ =	shalt  }
0x48: {  	_ =	shalt  }
0x49: {  	_ =	shalt  }
0x4a: {  	_ =	shalt  }
0x4b: {  	_ =	shalt  }
0x4c: {  	_ =	shalt  }
0x4d: {  	_ =	shalt  }
0x4e: {  	_ =	shalt  }
0x4f: {  	_ =	shalt  }
0x50: {  	_ =	shalt  }
0x51: {  	_ =	shalt  }
0x52: {  	_ =	shalt  }
0x53: {  	_ =	shalt  }
0x54: {  	_ =	shalt  }
0x55: {  	_ =	shalt  }
0x56: {  	_ =	shalt  }
0x57: {  	_ =	shalt  }
0x58: {  	_ =	shalt  }
0x59: {  	_ =	shalt  }
0x5a: {  	_ =	shalt  }
0x5b: {  	_ =	shalt  }
0x5c: {  	_ =	shalt  }
0x5d: {  	_ =	shalt  }
0x5e: {  	_ =	shalt  }
0x5f: {  	_ =	shalt  }
0x60: {  	_ =	shalt  }
0x61: {  	_ =	shalt  }
0x62: {  	_ =	shalt  }
0x63: {  	_ =	shalt  }
0x64: {  	_ =	shalt  }
0x65: {  	_ =	shalt  }
0x66: {  	_ =	shalt  }
0x67: {  	_ =	shalt  }
0x68: {  	_ =	shalt  }
0x69: {  	_ =	shalt  }
0x6a: {  	_ =	shalt  }
0x6b: {  	_ =	shalt  }
0x6c: {  	_ =	shalt  }
0x6d: {  	_ =	shalt  }
0x6e: {  	_ =	shalt  }
0x6f: {  	_ =	shalt  }
0x70: {  	_ =	shalt  }
0x71: {  	_ =	shalt  }
0x72: {  	_ =	shalt  }
0x73: {  	_ =	shalt  }
0x74: {  	_ =	shalt  }
0x75: {  	_ =	shalt  }
0x76: {  	_ =	shalt  }
0x77: {  	_ =	shalt  }
0x78: {  	_ =	shalt  }
0x79: {  	_ =	shalt  }
0x7a: {  	_ =	shalt  }
0x7b: {  	_ =	shalt  }
0x7c: {  	_ =	shalt  }
0x7d: {  	_ =	shalt  }
0x7e: {  	_ =	shalt  }
0x7f: {  	_ =	shalt  }
0x80: {  	_ =	shalt  }
0x81: {  	_ =	shalt  }
0x82: {  	_ =	shalt  }
0x83: {  	_ =	shalt  }
0x84: {  	_ =	shalt  }
0x85: {  	_ =	shalt  }
0x86: {  	_ =	shalt  }
0x87: {  	_ =	shalt  }
.Lfunc_end0:
.L_simem_size_0:
called_computation.1_lowered:
.L_overlay_start_0:
0x88: {  	s2 =	sld [smem:$0x3FD9]  }
0x89: {  	s3 =	sld [smem:$0x3FFE];
	_ =	sdelay $0x1  }
0x8a: {  	s1 =	srdreg.scid  }
0x8b: {  	s0 =	sand.u32 $0x1, s1  }
0x8c: {  	s17 =	sshll.u32 s0, $0xA;
	s2 =	sadd.s32 s3, s2  }
0x8d: {  	s2 =	sadd.s32 s2, s17  }
0x8e: {  	[smem:$0x3FC4] =	sst s2  }
0x8f: {  	_ = 	snop  }
0x90: {  	(tm) =	ssettm $0x1  }
0x91: {  	s18 =	sld [smem:$0x3FFB];
	_ =	sdelay $0x3  }
0x92: {  	_ =	strace s18  }
0x93: {  	s2 =	sld [smem:$0x3FFC];
	_ =	sdelay $0x3  }
0x94: {  	_ =	strace s2  }
0x95: {  	s2 =	sld [smem:$0x3FFD];
	_ =	sdelay $0x3  }
0x96: {  	_ =	strace s2  }
0x97: {  	_ =	strace $0x8FFFFFFF  }
0x98: {  	s19 =	sld [smem:$0x3FDB];
	_ =	sdelay $0x1  }
0x99: {  	s20 =	simm.s32 $_scs_section_size  }
0x9a: {  	s4 =	simm.s32 $_size__tile_overlayer_lowered;
	s5 =	simm.s32 $_tile_overlayer_lowered  }
0x9b: {  	s6 =	simm.s32 $0x1BFF;
	s21 =	sshll.u32 s5, $0x1;
	s3 =	sadd.s32 s20, s19  }
0x9c: {  	s22 =	simm.s32 $0x0;
	s4 =	sshll.u32 s4, $0x1;
	s5 =	sadd.s32 s21, s3  }
0x9d: {  	[timem:s22], [sflag:s6] =	dma.local [hbm:s5], s4  }
0x9e: {  	_ =	swait.ge [sflag:s6], s4  }
0x9f: {  	s4 =	ssub.s32 $0x0, s4;
	[sflag:s6] =	ssyncset.done $0x0  }
0xa0: {  	[sflag:s6] =	ssyncadd.s32 s4;
	_ =	sdelay $0x1  }
0xa1: {  	s23 =	simm.s32 $0x1B8B  }
0xa2: {  	_ =	swait.ge [sflag:s23], $0x1  }
0xa3: {  	[sflag:s23] =	ssyncset.done $0x0  }
0xa4: {  	[sflag:s23] =	ssyncadd.s32 $0xFFFFFFFF  }
0xa5: {  	s4 =	sld [smem:$0x0]  }
0xa6: {  	s5 =	sand.u32 $0xFFFFFFFE, s1  }
0xa7: {  	p0 =	sne.s32 s1, s5  }
0xa8: {  	s5 =	sshll.u32 @p0 s5, $0xE  }
0xa9: {  	s5 =	sadd.s32 @p0 $0x11B8D, s5;
	s6 =	sshll.u32 @p0 s4, $0x11  }
0xaa: {  	s5 =	sor.u32 @p0 s6, s5  }
0xab: {  	[sflag:s5] =	ssyncadd.remote.s32 @p0 $0x1;
	_ =	sdelay $0x1  }
0xac: {  	s5 =	simm.s32 @p0 $0x1B8D  }
0xad: {  	_ =	swait.eq @p0 [sflag:s5], $0x1  }
0xae: {  	[sflag:s5] =	ssyncadd.s32 @p0 $0xFFFFFFFF  }
0xaf: {  	s6 =	sshll.u32 @!p0 s1, $0xE  }
0xb0: {  	s6 =	sor.u32 @!p0 $0x4000, s6;
	s5 =	simm.s32 @!p0 $0x1B8D  }
0xb1: {  	s4 =	sshll.u32 @!p0 s4, $0x11;
	s6 =	sadd.s32 @!p0 $0x11B8D, s6;
	_ =	swait.eq @!p0 [sflag:s5], $0x1  }
0xb2: {  	s4 =	sor.u32 @!p0 s4, s6;
	[sflag:s5] =	ssyncadd.s32 @!p0 $0xFFFFFFFF  }
0xb3: {  	s25 =	simm.s32 $0x1B8E;
	s24 =	sld [smem:$0x3FFE];
	[sflag:s4] =	ssyncadd.remote.s32 @!p0 $0x1  }
0xb4: {  	s26 =	simm.s32 $execute0_lowered;
	[smem:$0x3FD2] =	sst s25  }
0xb5: {  	s5 =	sshll.u32 s26, $0x1;
	_ =	strace $0x80000049;
	[dreg:$0x1] =	wrdreg $0xFFFFFFFF  }
0xb6: {  	s28 =	simm.s32 $_size_execute0_lowered;
	s3 =	sadd.s32 s3, s5;
	[dreg:$0x0] =	wrdreg $0x0  }
0xb7: {  	s5 =	sshll.u32 s28, $0x1;
	[dreg:$0x2] =	wrdreg s3  }
0xb8: {  	[dreg:$0x3] =	wrdreg s5  }
0xb9: {  	[dreg:$0x4] =	wrdreg $0xC0  }
0xba: {  	_ =	task [dreg:s22], $0x5FFFF  }
0xbb: {  	[dreg:$0x1] =	wrdreg $0xFFFFFFFF  }
0xbc: {  	[dreg:$0x0] =	wrdreg $0x60  }
0xbd: {  	[dreg:$0x2] =	wrdreg s24  }
0xbe: {  	[dreg:$0x3] =	wrdreg $0xA  }
0xbf: {  	_ =	task.clear_ibuf [dreg:s22], $0x4FFFF;
	_ =	strace $0x90000049  }
0xc0: {  	s29 =	simm.s32 $0xA;
	_ =	strace $0x8000004B  }
0xc1: {  	_ =	swait.ge [sflag:s29], $0x1  }
0xc2: {  	[sflag:s29] =	ssyncadd.s32 $0xFFFFFFFF  }
0xc3: {  	_ =	strace $0x9000004B  }
0xc4: {  	_ =	sfence  }
0xc5: {  	s30 =	sld [smem:$0x0];
	_ =	sdelay $0x2  }
0xc6: {  	s31 =	sshll.u32 s1, $0xD;
	s1 =	sshrl.u32 s1, $0x2  }
0xc7: {  	s4 =	sand.u32 $0x4000, s31;
	s1 =	sadd.s32 s1, s30  }
0xc8: {  	s0 =	sor.u32 s4, s0;
	s1 =	sshll.u32 s1, $0x11  }
0xc9: {  	s0 =	sor.u32 s1, s0  }
0xca: {  	s0 =	sadd.s32 $0x8F2B, s0  }
0xcb: {  	[sflag:s0] =	ssyncadd.remote.s32 $0x1  }
0xcc: {  	_ =	sfence.sel $0xFFFF  }
0xcd: {  	[dreg:$0x0] =	wrdreg $0xFFFFFFFF;
	(pc) =	sbr.abs _section_cstart, $3  }
0xce: {  	[dreg:$0x1] =	wrdreg $0xFFFFFFFF  }
0xcf: {  	_ =	task.clear_ibuf [dreg:s22], $0x2FFFF;
	_ =	strace $0x9FFFFFFF  }
0xd0: {  	(tm) =	ssettm $0x7FFFFFFF  }
0xd1: {  	_ =	shalt  }
tec
execute0_lowered:
.L_overlay_start_1:
0x0: {  	(tag) =	ssettag $0x1  }
0x1: {  	s1 =	srdreg.scid;
	s0 =	stileid.u32  }
0x2: {  	s26 =	sand.u32 $0x1, s1;
	s31 =	sshll.u32 s0, $0x1  }
0x3: {  	s12 =	sor.u32 s26, s31  }
0x4: {  	s3 =	smul.u32 $0xD00, s12  }
0x5: {  	s15 =	rddreg [dreg:$0x0]  }
0x6: {  	s2 =	simm.s32 $0x0;
	s1 =	rddreg [dreg:$0x1];
	s3 =	sshrl.u32 s3, $0x3  }
0x7: {  	[smem:$0x7FF] =	sst s2;
	s24 =	sadd.s32 s3, s15  }
0x8: {  	_ =	strace $0x8000004A;
	s3 =	simm.s32 $0x3;
	s4 =	sadd.s32 $0x1A00, s24  }
0x9: {  	[tilespmem:s2], [sflag:$0x3] =	stream.linear.gather [hbm4b:s4+s2], $0x1A0, $0x38;
	[tilespmem:$0x1A400] =	vst v63  }
0xa: {  	_ =	swait.ge [sflag:s3], $0x1A0  }
0xb: {  	s6 =	simm.s32 $0x1A0;
	[sflag:s3] =	ssyncset.done $0x0  }
0xc: {  	s7 =	simm.s32 $0x400;
	s5 =	sadd.s32 $0xCE00, s15;
	[sflag:s3] =	ssyncadd.s32 $0xFFFFFE60  }
0xd: {  	[tilespmem:s7], [sflag:$0x1] =	stream.indirect.gather [hbm4b:s5+s6], $0x80, s2, s6, $0xb8;
	[tilespmem:$0x1A400] =	vst v63  }
0xe: {  	s9 =	simm.s32 $0x200;
	s8 =	sadd.s32 $0x1A34, s24  }
0xf: {  	[tilespmem:s9], [sflag:$0x3] =	stream.linear.gather [hbm4b:s8+s2], $0x1A0, $0x38;
	[tilespmem:$0x1A400] =	vst v63  }
0x10: {  	_ =	swait.ge [sflag:s3], $0x1A0  }
0x11: {  	[sflag:s3] =	ssyncset.done $0x0  }
0x12: {  	s10 =	simm.s32 $0xD400;
	s11 =	simm.s32 $0x1;
	[sflag:s3] =	ssyncadd.s32 $0xFFFFFE60  }
0x13: {  	[tilespmem:s10], [sflag:$0x2] =	stream.indirect.gather [hbm4b:s5+s6], $0x80, s9, s6, $0xb8;
	[tilespmem:$0x1A400] =	vst v63  }
0x14: {  	s28 =	smul.u32 $0xD000, s12;
	_ =	swait.ge [sflag:s11], $0xD000  }
0x15: {  	s25 =	sadd.s32 $0x94F200, s15;
	[sflag:s11] =	ssyncset.done $0x0  }
0x16: {  	s12 =	sadd.s32 s25, s28;
	[sflag:s11] =	ssyncadd.s32 $0xFFFF3000  }
0x17: {  	[hbm4b:s12+s2] =	stream.linear.scatter [tilespmem:s7], [sflag:$0x3], $0xD000, $0x38;
	[tilespmem:$0x1A400] =	vst v63  }
0x18: {  	_ =	swait.ge [sflag:s3], $0xD000  }
0x19: {  	[sflag:s3] =	ssyncset.done $0x0  }
0x1a: {  	s13 =	sadd.s32 $0x1A68, s24;
	[sflag:s3] =	ssyncadd.s32 $0xFFFF3000  }
0x1b: {  	[tilespmem:s2], [sflag:$0x3] =	stream.linear.gather [hbm4b:s13+s2], $0x1A0, $0x38;
	[tilespmem:$0x1A400] =	vst v63  }
0x1c: {  	_ =	swait.ge [sflag:s3], $0x1A0  }
0x1d: {  	[sflag:s3] =	ssyncset.done $0x0  }
0x1e: {  	s14 =	simm.s32 $0x2;
	[sflag:s3] =	ssyncadd.s32 $0xFFFFFE60  }
0x1f: {  	[tilespmem:s7], [sflag:$0x1] =	stream.indirect.gather [hbm4b:s5+s6], $0x80, s2, s6, $0xb8;
	[tilespmem:$0x1A400] =	vst v63  }
0x20: {  	_ =	swait.ge [sflag:s14], $0xD000  }
0x21: {  	s29 =	sadd.s32 $0x950C00, s15;
	[sflag:s14] =	ssyncset.done $0x0  }
0x22: {  	s15 =	sadd.s32 s28, s29;
	[sflag:s14] =	ssyncadd.s32 $0xFFFF3000  }
0x23: {  	[hbm4b:s15+s2] =	stream.linear.scatter [tilespmem:s10], [sflag:$0x3], $0xD000, $0x38;
	[tilespmem:$0x1A400] =	vst v63  }
0x24: {  	_ =	swait.ge [sflag:s3], $0xD000  }
0x25: {  	[sflag:s3] =	ssyncset.done $0x0  }
0x26: {  	s16 =	sadd.s32 $0x1A9C, s24;
	[sflag:s3] =	ssyncadd.s32 $0xFFFF3000  }
0x27: {  	[tilespmem:s9], [sflag:$0x3] =	stream.linear.gather [hbm4b:s16+s2], $0x1A0, $0x38;
	[tilespmem:$0x1A400] =	vst v63  }
0x28: {  	_ =	swait.ge [sflag:s3], $0x1A0  }
0x29: {  	[sflag:s3] =	ssyncset.done $0x0  }
0x2a: {  	[sflag:s3] =	ssyncadd.s32 $0xFFFFFE60  }
0x2b: {  	[tilespmem:s10], [sflag:$0x2] =	stream.indirect.gather [hbm4b:s5+s6], $0x80, s9, s6, $0xb8;
	[tilespmem:$0x1A400] =	vst v63  }
0x2c: {  	_ =	swait.ge [sflag:s11], $0xD000  }
0x2d: {  	s19 =	sadd.s32 $0x3400, s28;
	[sflag:s11] =	ssyncset.done $0x0  }
0x2e: {  	s17 =	sadd.s32 s25, s19;
	[sflag:s11] =	ssyncadd.s32 $0xFFFF3000  }
0x2f: {  	[hbm4b:s17+s2] =	stream.linear.scatter [tilespmem:s7], [sflag:$0x3], $0xD000, $0x38;
	[tilespmem:$0x1A400] =	vst v63  }
0x30: {  	_ =	swait.ge [sflag:s3], $0xD000  }
0x31: {  	[sflag:s3] =	ssyncset.done $0x0  }
0x32: {  	s18 =	sadd.s32 $0x1AD0, s24;
	[sflag:s3] =	ssyncadd.s32 $0xFFFF3000  }
0x33: {  	[tilespmem:s2], [sflag:$0x3] =	stream.linear.gather [hbm4b:s18+s2], $0x1A0, $0x38;
	[tilespmem:$0x1A400] =	vst v63  }
0x34: {  	_ =	swait.ge [sflag:s3], $0x1A0  }
0x35: {  	[sflag:s3] =	ssyncset.done $0x0  }
0x36: {  	[sflag:s3] =	ssyncadd.s32 $0xFFFFFE60  }
0x37: {  	[tilespmem:s7], [sflag:$0x1] =	stream.indirect.gather [hbm4b:s5+s6], $0x80, s2, s6, $0xb8;
	[tilespmem:$0x1A400] =	vst v63  }
0x38: {  	_ =	swait.ge [sflag:s14], $0xD000  }
0x39: {  	[sflag:s14] =	ssyncset.done $0x0  }
0x3a: {  	s19 =	sadd.s32 s19, s29;
	[sflag:s14] =	ssyncadd.s32 $0xFFFF3000  }
0x3b: {  	[hbm4b:s19+s2] =	stream.linear.scatter [tilespmem:s10], [sflag:$0x3], $0xD000, $0x38;
	[tilespmem:$0x1A400] =	vst v63  }
0x3c: {  	_ =	swait.ge [sflag:s3], $0xD000  }
0x3d: {  	[sflag:s3] =	ssyncset.done $0x0  }
0x3e: {  	s20 =	sadd.s32 $0x1B04, s24;
	[sflag:s3] =	ssyncadd.s32 $0xFFFF3000  }
0x3f: {  	[tilespmem:s9], [sflag:$0x3] =	stream.linear.gather [hbm4b:s20+s2], $0x1A0, $0x38;
	[tilespmem:$0x1A400] =	vst v63  }
0x40: {  	_ =	swait.ge [sflag:s3], $0x1A0  }
0x41: {  	[sflag:s3] =	ssyncset.done $0x0  }
0x42: {  	[sflag:s3] =	ssyncadd.s32 $0xFFFFFE60  }
0x43: {  	[tilespmem:s10], [sflag:$0x2] =	stream.indirect.gather [hbm4b:s5+s6], $0x80, s9, s6, $0xb8;
	[tilespmem:$0x1A400] =	vst v63  }
0x44: {  	_ =	swait.ge [sflag:s11], $0xD000  }
0x45: {  	s23 =	sadd.s32 $0x6800, s28;
	[sflag:s11] =	ssyncset.done $0x0  }
0x46: {  	s21 =	sadd.s32 s25, s23;
	[sflag:s11] =	ssyncadd.s32 $0xFFFF3000  }
0x47: {  	[hbm4b:s21+s2] =	stream.linear.scatter [tilespmem:s7], [sflag:$0x3], $0xD000, $0x38;
	[tilespmem:$0x1A400] =	vst v63  }
0x48: {  	_ =	swait.ge [sflag:s3], $0xD000  }
0x49: {  	[sflag:s3] =	ssyncset.done $0x0  }
0x4a: {  	s22 =	sadd.s32 $0x1B38, s24;
	[sflag:s3] =	ssyncadd.s32 $0xFFFF3000  }
0x4b: {  	[tilespmem:s2], [sflag:$0x3] =	stream.linear.gather [hbm4b:s22+s2], $0x1A0, $0x38;
	[tilespmem:$0x1A400] =	vst v63  }
0x4c: {  	_ =	swait.ge [sflag:s3], $0x1A0  }
0x4d: {  	[sflag:s3] =	ssyncset.done $0x0  }
0x4e: {  	[sflag:s3] =	ssyncadd.s32 $0xFFFFFE60  }
0x4f: {  	[tilespmem:s7], [sflag:$0x1] =	stream.indirect.gather [hbm4b:s5+s6], $0x80, s2, s6, $0xb8;
	[tilespmem:$0x1A400] =	vst v63  }
0x50: {  	_ =	swait.ge [sflag:s14], $0xD000  }
0x51: {  	[sflag:s14] =	ssyncset.done $0x0  }
0x52: {  	s23 =	sadd.s32 s23, s29;
	[sflag:s14] =	ssyncadd.s32 $0xFFFF3000  }
0x53: {  	[hbm4b:s23+s2] =	stream.linear.scatter [tilespmem:s10], [sflag:$0x3], $0xD000, $0x38;
	[tilespmem:$0x1A400] =	vst v63  }
0x54: {  	_ =	swait.ge [sflag:s3], $0xD000  }
0x55: {  	[sflag:s3] =	ssyncset.done $0x0  }
0x56: {  	s24 =	sadd.s32 $0x1B6C, s24;
	[sflag:s3] =	ssyncadd.s32 $0xFFFF3000  }
0x57: {  	[tilespmem:s9], [sflag:$0x3] =	stream.linear.gather [hbm4b:s24+s2], $0x1A0, $0x38;
	[tilespmem:$0x1A400] =	vst v63  }
0x58: {  	_ =	swait.ge [sflag:s3], $0x1A0  }
0x59: {  	[sflag:s3] =	ssyncset.done $0x0  }
0x5a: {  	[sflag:s3] =	ssyncadd.s32 $0xFFFFFE60  }
0x5b: {  	[tilespmem:s10], [sflag:$0x2] =	stream.indirect.gather [hbm4b:s5+s6], $0x80, s9, s6, $0xb8;
	[tilespmem:$0x1A400] =	vst v63  }
0x5c: {  	_ =	swait.ge [sflag:s11], $0xD000  }
0x5d: {  	s28 =	sadd.s32 $0x9C00, s28;
	[sflag:s11] =	ssyncset.done $0x0  }
0x5e: {  	s26 =	ssub.s32 $0x2, s26;
	s25 =	sadd.s32 s25, s28;
	[sflag:s11] =	ssyncadd.s32 $0xFFFF3000  }
0x5f: {  	[hbm4b:s25+s2] =	stream.linear.scatter [tilespmem:s7], [sflag:$0x3], $0xD000, $0x38;
	[tilespmem:$0x1A400] =	vst v63  }
0x60: {  	s30 =	sshrl.u32 s26, $0x1;
	_ =	swait.ge [sflag:s3], $0xD000  }
0x61: {  	s30 =	ssub.s32 s26, s30;
	[sflag:s3] =	ssyncset.done $0x0  }
0x62: {  	s26 =	sadd.s32 s28, s29;
	s28 =	smax.u32 s30, $0x1;
	[sflag:s3] =	ssyncadd.s32 $0xFFFF3000  }
0x63: {  	p0 =	sne.s32 s28, $0x1;
	_ =	swait.ge [sflag:s14], $0xD000  }
.Ltmp0:
0x64: {  	[sflag:s14] =	ssyncset.done $0x0;
	(pc) =	sbr.rel @!p0 .LBB2_2-.Ltmp0, $4  }
0x65: {  	[sflag:s14] =	ssyncadd.s32 $0xFFFF3000  }
0x66: {  	[hbm4b:s26+s2] =	stream.linear.scatter [tilespmem:s10], [sflag:$0x3], $0xD000, $0x38;
	[tilespmem:$0x1A400] =	vst v63  }
0x67: {  	_ =	swait.ge [sflag:s3], $0xD000  }
0x68: {  	s28 =	sadd.s32 $0xFFFFFFFF, s28;
	[sflag:s3] =	ssyncset.done $0x0  }
.LBB2_1:
0x69: {  	p0 =	sne.s32 s28, $0x1;
	s28 =	sadd.s32 $0xFFFFFFFF, s28;
	[sflag:s3] =	ssyncadd.s32 $0xFFFF3000  }
0x6a: {  	[tilespmem:s2], [sflag:$0x3] =	stream.linear.gather [hbm4b:s4+s2], $0x1A0, $0x38;
	[tilespmem:$0x1A400] =	vst v63  }
0x6b: {  	_ =	swait.ge [sflag:s3], $0x1A0  }
0x6c: {  	[sflag:s3] =	ssyncset.done $0x0  }
0x6d: {  	[sflag:s3] =	ssyncadd.s32 $0xFFFFFE60  }
0x6e: {  	[tilespmem:s7], [sflag:$0x1] =	stream.indirect.gather [hbm4b:s5+s6], $0x80, s2, s6, $0xb8;
	[tilespmem:$0x1A400] =	vst v63  }
0x6f: {  	_ = 	snop  }
0x70: {  	[tilespmem:s9], [sflag:$0x3] =	stream.linear.gather [hbm4b:s8+s2], $0x1A0, $0x38;
	[tilespmem:$0x1A400] =	vst v63  }
0x71: {  	_ =	swait.ge [sflag:s3], $0x1A0  }
0x72: {  	[sflag:s3] =	ssyncset.done $0x0  }
0x73: {  	[sflag:s3] =	ssyncadd.s32 $0xFFFFFE60  }
0x74: {  	[tilespmem:s10], [sflag:$0x2] =	stream.indirect.gather [hbm4b:s5+s6], $0x80, s9, s6, $0xb8;
	[tilespmem:$0x1A400] =	vst v63  }
0x75: {  	_ =	swait.ge [sflag:s11], $0xD000  }
0x76: {  	[sflag:s11] =	ssyncset.done $0x0  }
0x77: {  	[sflag:s11] =	ssyncadd.s32 $0xFFFF3000  }
0x78: {  	[hbm4b:s12+s2] =	stream.linear.scatter [tilespmem:s7], [sflag:$0x3], $0xD000, $0x38;
	[tilespmem:$0x1A400] =	vst v63  }
0x79: {  	_ =	swait.ge [sflag:s3], $0xD000  }
0x7a: {  	[sflag:s3] =	ssyncset.done $0x0  }
0x7b: {  	[sflag:s3] =	ssyncadd.s32 $0xFFFF3000  }
0x7c: {  	[tilespmem:s2], [sflag:$0x3] =	stream.linear.gather [hbm4b:s13+s2], $0x1A0, $0x38;
	[tilespmem:$0x1A400] =	vst v63  }
0x7d: {  	_ =	swait.ge [sflag:s3], $0x1A0  }
0x7e: {  	[sflag:s3] =	ssyncset.done $0x0  }
0x7f: {  	[sflag:s3] =	ssyncadd.s32 $0xFFFFFE60  }
0x80: {  	[tilespmem:s7], [sflag:$0x1] =	stream.indirect.gather [hbm4b:s5+s6], $0x80, s2, s6, $0xb8;
	[tilespmem:$0x1A400] =	vst v63  }
0x81: {  	_ =	swait.ge [sflag:s14], $0xD000  }
0x82: {  	[sflag:s14] =	ssyncset.done $0x0  }
0x83: {  	[sflag:s14] =	ssyncadd.s32 $0xFFFF3000  }
0x84: {  	[hbm4b:s15+s2] =	stream.linear.scatter [tilespmem:s10], [sflag:$0x3], $0xD000, $0x38;
	[tilespmem:$0x1A400] =	vst v63  }
0x85: {  	_ =	swait.ge [sflag:s3], $0xD000  }
0x86: {  	[sflag:s3] =	ssyncset.done $0x0  }
0x87: {  	[sflag:s3] =	ssyncadd.s32 $0xFFFF3000  }
0x88: {  	[tilespmem:s9], [sflag:$0x3] =	stream.linear.gather [hbm4b:s16+s2], $0x1A0, $0x38;
	[tilespmem:$0x1A400] =	vst v63  }
0x89: {  	_ =	swait.ge [sflag:s3], $0x1A0  }
0x8a: {  	[sflag:s3] =	ssyncset.done $0x0  }
0x8b: {  	[sflag:s3] =	ssyncadd.s32 $0xFFFFFE60  }
0x8c: {  	[tilespmem:s10], [sflag:$0x2] =	stream.indirect.gather [hbm4b:s5+s6], $0x80, s9, s6, $0xb8;
	[tilespmem:$0x1A400] =	vst v63  }
0x8d: {  	_ =	swait.ge [sflag:s11], $0xD000  }
0x8e: {  	[sflag:s11] =	ssyncset.done $0x0  }
0x8f: {  	[sflag:s11] =	ssyncadd.s32 $0xFFFF3000  }
0x90: {  	[hbm4b:s17+s2] =	stream.linear.scatter [tilespmem:s7], [sflag:$0x3], $0xD000, $0x38;
	[tilespmem:$0x1A400] =	vst v63  }
0x91: {  	_ =	swait.ge [sflag:s3], $0xD000  }
0x92: {  	[sflag:s3] =	ssyncset.done $0x0  }
0x93: {  	[sflag:s3] =	ssyncadd.s32 $0xFFFF3000  }
0x94: {  	[tilespmem:s2], [sflag:$0x3] =	stream.linear.gather [hbm4b:s18+s2], $0x1A0, $0x38;
	[tilespmem:$0x1A400] =	vst v63  }
0x95: {  	_ =	swait.ge [sflag:s3], $0x1A0  }
0x96: {  	[sflag:s3] =	ssyncset.done $0x0  }
0x97: {  	[sflag:s3] =	ssyncadd.s32 $0xFFFFFE60  }
0x98: {  	[tilespmem:s7], [sflag:$0x1] =	stream.indirect.gather [hbm4b:s5+s6], $0x80, s2, s6, $0xb8;
	[tilespmem:$0x1A400] =	vst v63  }
0x99: {  	_ =	swait.ge [sflag:s14], $0xD000  }
0x9a: {  	[sflag:s14] =	ssyncset.done $0x0  }
0x9b: {  	[sflag:s14] =	ssyncadd.s32 $0xFFFF3000  }
0x9c: {  	[hbm4b:s19+s2] =	stream.linear.scatter [tilespmem:s10], [sflag:$0x3], $0xD000, $0x38;
	[tilespmem:$0x1A400] =	vst v63  }
0x9d: {  	_ =	swait.ge [sflag:s3], $0xD000  }
0x9e: {  	[sflag:s3] =	ssyncset.done $0x0  }
0x9f: {  	[sflag:s3] =	ssyncadd.s32 $0xFFFF3000  }
0xa0: {  	[tilespmem:s9], [sflag:$0x3] =	stream.linear.gather [hbm4b:s20+s2], $0x1A0, $0x38;
	[tilespmem:$0x1A400] =	vst v63  }
0xa1: {  	_ =	swait.ge [sflag:s3], $0x1A0  }
0xa2: {  	[sflag:s3] =	ssyncset.done $0x0  }
0xa3: {  	[sflag:s3] =	ssyncadd.s32 $0xFFFFFE60  }
0xa4: {  	[tilespmem:s10], [sflag:$0x2] =	stream.indirect.gather [hbm4b:s5+s6], $0x80, s9, s6, $0xb8;
	[tilespmem:$0x1A400] =	vst v63  }
0xa5: {  	_ =	swait.ge [sflag:s11], $0xD000  }
0xa6: {  	[sflag:s11] =	ssyncset.done $0x0  }
0xa7: {  	[sflag:s11] =	ssyncadd.s32 $0xFFFF3000  }
0xa8: {  	[hbm4b:s21+s2] =	stream.linear.scatter [tilespmem:s7], [sflag:$0x3], $0xD000, $0x38;
	[tilespmem:$0x1A400] =	vst v63  }
0xa9: {  	_ =	swait.ge [sflag:s3], $0xD000  }
0xaa: {  	[sflag:s3] =	ssyncset.done $0x0  }
0xab: {  	[sflag:s3] =	ssyncadd.s32 $0xFFFF3000  }
0xac: {  	[tilespmem:s2], [sflag:$0x3] =	stream.linear.gather [hbm4b:s22+s2], $0x1A0, $0x38;
	[tilespmem:$0x1A400] =	vst v63  }
0xad: {  	_ =	swait.ge [sflag:s3], $0x1A0  }
0xae: {  	[sflag:s3] =	ssyncset.done $0x0  }
0xaf: {  	[sflag:s3] =	ssyncadd.s32 $0xFFFFFE60  }
0xb0: {  	[tilespmem:s7], [sflag:$0x1] =	stream.indirect.gather [hbm4b:s5+s6], $0x80, s2, s6, $0xb8;
	[tilespmem:$0x1A400] =	vst v63  }
0xb1: {  	_ =	swait.ge [sflag:s14], $0xD000  }
0xb2: {  	[sflag:s14] =	ssyncset.done $0x0  }
0xb3: {  	[sflag:s14] =	ssyncadd.s32 $0xFFFF3000  }
0xb4: {  	[hbm4b:s23+s2] =	stream.linear.scatter [tilespmem:s10], [sflag:$0x3], $0xD000, $0x38;
	[tilespmem:$0x1A400] =	vst v63  }
0xb5: {  	_ =	swait.ge [sflag:s3], $0xD000  }
0xb6: {  	[sflag:s3] =	ssyncset.done $0x0  }
0xb7: {  	[sflag:s3] =	ssyncadd.s32 $0xFFFF3000  }
0xb8: {  	[tilespmem:s9], [sflag:$0x3] =	stream.linear.gather [hbm4b:s24+s2], $0x1A0, $0x38;
	[tilespmem:$0x1A400] =	vst v63  }
0xb9: {  	_ =	swait.ge [sflag:s3], $0x1A0  }
0xba: {  	[sflag:s3] =	ssyncset.done $0x0  }
0xbb: {  	[sflag:s3] =	ssyncadd.s32 $0xFFFFFE60  }
0xbc: {  	[tilespmem:s10], [sflag:$0x2] =	stream.indirect.gather [hbm4b:s5+s6], $0x80, s9, s6, $0xb8;
	[tilespmem:$0x1A400] =	vst v63  }
0xbd: {  	_ =	swait.ge [sflag:s11], $0xD000  }
0xbe: {  	[sflag:s11] =	ssyncset.done $0x0  }
0xbf: {  	[sflag:s11] =	ssyncadd.s32 $0xFFFF3000  }
0xc0: {  	[hbm4b:s25+s2] =	stream.linear.scatter [tilespmem:s7], [sflag:$0x3], $0xD000, $0x38;
	[tilespmem:$0x1A400] =	vst v63  }
0xc1: {  	_ =	swait.ge [sflag:s3], $0xD000  }
0xc2: {  	[sflag:s3] =	ssyncset.done $0x0  }
0xc3: {  	[sflag:s3] =	ssyncadd.s32 $0xFFFF3000  }
0xc4: {  	_ =	swait.ge [sflag:s14], $0xD000  }
.Ltmp1:
0xc5: {  	[sflag:s14] =	ssyncset.done $0x0;
	(pc) =	sbr.rel @p0 .LBB2_1-.Ltmp1, $4  }
0xc6: {  	[sflag:s14] =	ssyncadd.s32 $0xFFFF3000  }
0xc7: {  	[hbm4b:s26+s2] =	stream.linear.scatter [tilespmem:s10], [sflag:$0x3], $0xD000, $0x38;
	[tilespmem:$0x1A400] =	vst v63  }
0xc8: {  	_ =	swait.ge [sflag:s3], $0xD000  }
0xc9: {  	[sflag:s3] =	ssyncset.done $0x0  }
.LBB2_2:
0xca: {  	[sflag:s3] =	ssyncadd.s32 $0xFFFF3000  }
0xcb: {  	_ =	sfence.sel $0x180000  }
0xcc: {  	[bflag:$0x0] =	sbarrier.arrive $0xFFFF  }
0xcd: {  	p0 =	sne.s32 s0, $0x0;
	_ =	strace $0x9000004A  }
0xce: {  	s0 =	sadd.s32 @!p0 $0x100000, s1;
	[bflag:$0x2] =	sbarrier.arrive $0xFFFF  }
0xcf: {  	[sflag:s0] =	ssyncadd.tile.s32 @!p0 $0x1;
	_ =	shalt  }
.Lfunc_end2:
_tile_overlayer_lowered:
.L_overlay_start_2:
0xd0: {  	(tag) =	ssettag $0x2  }
0xd1: {  	s0 =	rddreg [dreg:$0x0];
	s2 =	stileid.u32  }
0xd2: {  	s1 =	rddreg [dreg:$0x1];
	p0 =	sne.s32 s2, $0x0  }
0xd3: {  	s3 =	rddreg [dreg:$0x2];
	[bflag:$0x3] =	sbarrier.arrive $0xFFFF;
	s2 =	simm.s32 @!p0 $0x1C03  }
0xd4: {  	[timem:s3], [sflag:s2] =	dma.local @!p0 [hbm:s0], s1  }
0xd5: {  	s0 =	simm.s32 @!p0 $0x3  }
0xd6: {  	_ =	swait.ge @!p0 [sflag:s0], s1  }
0xd7: {  	s1 =	ssub.s32 @!p0 $0x0, s1;
	[sflag:s0] =	ssyncset.done @!p0 $0x0  }
0xd8: {  	[sflag:s0] =	ssyncadd.s32 @!p0 s1  }
0xd9: {  	[bflag:$0x3] =	sbarrier.arrive $0xFFFF  }
0xda: {  	_ =	shalt  }

// kernel: kernel.17.cloned.1.call-start
scs
__scs_entry_jumppad:
0x0: {  	(pc) =	sbr.rel $0x88, $3  }
0x1: {  	(tag) =	ssettag $0x0;
	lr =	simm.s32 $0x1  }
0x2: {  	[smem:$0x3F9D] =	sst lr;
	_ =	strace $0xD0000000  }
0x3: {  	_ = 	snop  }
0x4: {  	_ = 	snop  }
0x5: {  	_ = 	snop  }
0x6: {  	_ = 	snop  }
0x7: {  	_ = 	snop  }
__scs_overlays_trampoline_lowered:
0x8: {  	[smem:$0x3FAC] =	sst s0  }
0x9: {  	[smem:$0x3FAD] =	sst s1  }
0xa: {  	[smem:$0x3FAE] =	sst s2  }
0xb: {  	[smem:$0x3FAF] =	sst s3  }
0xc: {  	[smem:$0x3FB0] =	sst s4  }
0xd: {  	[smem:$0x3FB1] =	sst s5  }
0xe: {  	[smem:$0x3FB2] =	sst s6  }
0xf: {  	[smem:$0x3FB3] =	sst s7  }
0x10: {  	[smem:$0x3FB4] =	sst s8  }
0x11: {  	[smem:$0x3FB5] =	sst s9;
	s0 =	simm.s32 @!p0 $0x0  }
0x12: {  	s1 =	sld [smem:$0x3F9B];
	s0 =	simm.s32 @p0 $0x1  }
0x13: {  	[smem:$0x3FB6] =	sst s0;
	s0 =	simm.s32 @!p1 $0x0  }
0x14: {  	s2 =	sld [smem:$0x3F9A];
	s0 =	simm.s32 @p1 $0x1  }
0x15: {  	[smem:$0x3FB7] =	sst s0;
	s0 =	simm.s32 @!p2 $0x0  }
0x16: {  	s3 =	sld [smem:$0x3FDB];
	s0 =	simm.s32 @p2 $0x1  }
0x17: {  	s4 =	simm.s32 $0x1BF5;
	[smem:$0x3FB9] =	sst s0  }
0x18: {  	s0 =	sld [smem:$0x3F9C];
	_ =	swait.ge [sflag:s4], $0x0  }
0x19: {  	s7 =	sld [smem:$0x3F9D]  }
0x1a: {  	s8 =	sadd.s32 $0xFFFFE003, lr  }
0x1b: {  	s9 =	sadd.s32 $0xFFFFFEF7, lr;
	s5 =	simm.s32 $0xFFFFFFFF;
	p2 =	slt.u32 s8, $0xFFFFF086  }
0x1c: {  	p1 =	slt.u32 s9, $0xF7A;
	s5 =	simm.s32 @!p2 $0x0  }
0x1d: {  	s5 =	simm.s32 @p1 $0x1;
	p0 =	seq.s32 s7, s2  }
0x1e: {  	s7 =	smul.u32 @!p0 $0xF7A, s2;
	p2 =	seq.s32 @!p0 s5, $0x0  }
0x1f: {  	s9 =	smul.u32 $0xF7A, s1;
	s8 =	simm.s32 @!p0 $0x1BF5;
	p2 =	por !p2, p0  }
0x20: {  	[sflag:s8] =	ssyncset.s32 @!p0 $0xFFFFF086;
	s6 =	sadd.s32 @!p0 s3, s7;
	s7 =	simm.s32 @!p0 $0x108  }
0x21: {  	s3 =	sadd.s32 s3, s9;
	s6 =	sadd.s32 @!p0 $0x88, s6;
	s7 =	simm.s32 @p2 $0x1082  }
0x22: {  	[simem:s7], [sflag:s8] =	dma.local @!p0 [hbm:s6], $0xF7A  }
0x23: {  	s9 =	sor.u32 $0xD0000000, s2;
	s6 =	simm.s32 $0x108;
	_ =	swait.ge @!p0 [sflag:s8], $0x0  }
0x24: {  	s3 =	sadd.s32 $0x88, s3;
	s6 =	simm.s32 @!p1 $0x1082;
	[sflag:s4] =	ssyncset.s32 $0xFFFFF086  }
0x25: {  	[simem:s6], [sflag:s4] =	dma.local [hbm:s3], $0xF7A  }
0x26: {  	[smem:$0x3F9D] =	sst s1;
	(tag) =	ssettag s2;
	_ =	strace s9  }
0x27: {  	s1 =	sld [smem:$0x3FAD]  }
0x28: {  	s2 =	sld [smem:$0x3FAE]  }
0x29: {  	s4 =	sld [smem:$0x3FB0]  }
0x2a: {  	p0 =	seq.s32 s5, $0x0;
	s5 =	sld [smem:$0x3FB1]  }
0x2b: {  	s6 =	sld [smem:$0x3FB2]  }
0x2c: {  	s7 =	sld [smem:$0x3FB3]  }
0x2d: {  	s3 =	simm.s32 $0x108;
	s8 =	sld [smem:$0x3FB4]  }
0x2e: {  	s3 =	simm.s32 @!p0 $0x1082;
	s9 =	sld [smem:$0x3FB5]  }
0x2f: {  	lr =	sadd.s32 s0, s3;
	s0 =	sld [smem:$0x3FAC]  }
0x30: {  	s3 =	sld [smem:$0x3FAF]  }
0x31: {  	[smem:$0x3FB8] =	sst s10  }
0x32: {  	s10 =	sld [smem:$0x3FB6];
	_ =	sdelay $0x3  }
0x33: {  	p0 =	seq.s32 s10, $0x1;
	s10 =	sld [smem:$0x3FB8];
	_ =	sdelay $0x3  }
0x34: {  	[smem:$0x3FB8] =	sst s10  }
0x35: {  	s10 =	sld [smem:$0x3FB7];
	_ =	sdelay $0x3  }
0x36: {  	p1 =	seq.s32 s10, $0x1;
	s10 =	sld [smem:$0x3FB8];
	_ =	sdelay $0x3  }
0x37: {  	[smem:$0x3FB8] =	sst s10  }
0x38: {  	s10 =	sld [smem:$0x3FB9]  }
0x39: {  	_ = 	snop;
	(pc) =	sbr.ind lr, $3  }
0x3a: {  	_ = 	snop  }
0x3b: {  	_ = 	snop  }
0x3c: {  	p2 =	seq.s32 s10, $0x1;
	s10 =	sld [smem:$0x3FB8]  }
0x3d: {  	_ =	shalt  }
0x3e: {  	_ =	shalt  }
0x3f: {  	_ =	shalt  }
0x40: {  	_ =	shalt  }
0x41: {  	_ =	shalt  }
0x42: {  	_ =	shalt  }
0x43: {  	_ =	shalt  }
0x44: {  	_ =	shalt  }
0x45: {  	_ =	shalt  }
0x46: {  	_ =	shalt  }
0x47: {  	_ =	shalt  }
0x48: {  	_ =	shalt  }
0x49: {  	_ =	shalt  }
0x4a: {  	_ =	shalt  }
0x4b: {  	_ =	shalt  }
0x4c: {  	_ =	shalt  }
0x4d: {  	_ =	shalt  }
0x4e: {  	_ =	shalt  }
0x4f: {  	_ =	shalt  }
0x50: {  	_ =	shalt  }
0x51: {  	_ =	shalt  }
0x52: {  	_ =	shalt  }
0x53: {  	_ =	shalt  }
0x54: {  	_ =	shalt  }
0x55: {  	_ =	shalt  }
0x56: {  	_ =	shalt  }
0x57: {  	_ =	shalt  }
0x58: {  	_ =	shalt  }
0x59: {  	_ =	shalt  }
0x5a: {  	_ =	shalt  }
0x5b: {  	_ =	shalt  }
0x5c: {  	_ =	shalt  }
0x5d: {  	_ =	shalt  }
0x5e: {  	_ =	shalt  }
0x5f: {  	_ =	shalt  }
0x60: {  	_ =	shalt  }
0x61: {  	_ =	shalt  }
0x62: {  	_ =	shalt  }
0x63: {  	_ =	shalt  }
0x64: {  	_ =	shalt  }
0x65: {  	_ =	shalt  }
0x66: {  	_ =	shalt  }
0x67: {  	_ =	shalt  }
0x68: {  	_ =	shalt  }
0x69: {  	_ =	shalt  }
0x6a: {  	_ =	shalt  }
0x6b: {  	_ =	shalt  }
0x6c: {  	_ =	shalt  }
0x6d: {  	_ =	shalt  }
0x6e: {  	_ =	shalt  }
0x6f: {  	_ =	shalt  }
0x70: {  	_ =	shalt  }
0x71: {  	_ =	shalt  }
0x72: {  	_ =	shalt  }
0x73: {  	_ =	shalt  }
0x74: {  	_ =	shalt  }
0x75: {  	_ =	shalt  }
0x76: {  	_ =	shalt  }
0x77: {  	_ =	shalt  }
0x78: {  	_ =	shalt  }
0x79: {  	_ =	shalt  }
0x7a: {  	_ =	shalt  }
0x7b: {  	_ =	shalt  }
0x7c: {  	_ =	shalt  }
0x7d: {  	_ =	shalt  }
0x7e: {  	_ =	shalt  }
0x7f: {  	_ =	shalt  }
0x80: {  	_ =	shalt  }
0x81: {  	_ =	shalt  }
0x82: {  	_ =	shalt  }
0x83: {  	_ =	shalt  }
0x84: {  	_ =	shalt  }
0x85: {  	_ =	shalt  }
0x86: {  	_ =	shalt  }
0x87: {  	_ =	shalt  }
.Lfunc_end0:
.L_simem_size_0:
called_computation.2_lowered:
.L_overlay_start_0:
0x88: {  	s2 =	sld [smem:$0x3FD9]  }
0x89: {  	s3 =	sld [smem:$0x3FFE];
	_ =	sdelay $0x1  }
0x8a: {  	s1 =	srdreg.scid  }
0x8b: {  	s0 =	sand.u32 $0x1, s1  }
0x8c: {  	s17 =	sshll.u32 s0, $0xA;
	s2 =	sadd.s32 s3, s2  }
0x8d: {  	s2 =	sadd.s32 s2, s17  }
0x8e: {  	[smem:$0x3FC4] =	sst s2  }
0x8f: {  	_ = 	snop  }
0x90: {  	(tm) =	ssettm $0x1  }
0x91: {  	s18 =	sld [smem:$0x3FFB];
	_ =	sdelay $0x3  }
0x92: {  	_ =	strace s18  }
0x93: {  	s2 =	sld [smem:$0x3FFC];
	_ =	sdelay $0x3  }
0x94: {  	_ =	strace s2  }
0x95: {  	s2 =	sld [smem:$0x3FFD];
	_ =	sdelay $0x3  }
0x96: {  	_ =	strace s2  }
0x97: {  	_ =	strace $0x8FFFFFFF  }
0x98: {  	s19 =	sld [smem:$0x3FDB];
	_ =	sdelay $0x1  }
0x99: {  	s20 =	simm.s32 $_scs_section_size  }
0x9a: {  	s4 =	simm.s32 $_size__tile_overlayer_lowered;
	s5 =	simm.s32 $_tile_overlayer_lowered  }
0x9b: {  	s6 =	simm.s32 $0x1BFF;
	s21 =	sshll.u32 s5, $0x1;
	s3 =	sadd.s32 s20, s19  }
0x9c: {  	s22 =	simm.s32 $0x0;
	s4 =	sshll.u32 s4, $0x1;
	s5 =	sadd.s32 s21, s3  }
0x9d: {  	[timem:s22], [sflag:s6] =	dma.local [hbm:s5], s4  }
0x9e: {  	_ =	swait.ge [sflag:s6], s4  }
0x9f: {  	s4 =	ssub.s32 $0x0, s4;
	[sflag:s6] =	ssyncset.done $0x0  }
0xa0: {  	[sflag:s6] =	ssyncadd.s32 s4;
	_ =	sdelay $0x1  }
0xa1: {  	s23 =	simm.s32 $0x1B8B  }
0xa2: {  	_ =	swait.ge [sflag:s23], $0x1  }
0xa3: {  	[sflag:s23] =	ssyncset.done $0x0  }
0xa4: {  	[sflag:s23] =	ssyncadd.s32 $0xFFFFFFFF  }
0xa5: {  	s4 =	sld [smem:$0x0]  }
0xa6: {  	s5 =	sand.u32 $0xFFFFFFFE, s1  }
0xa7: {  	p0 =	sne.s32 s1, s5  }
0xa8: {  	s5 =	sshll.u32 @p0 s5, $0xE  }
0xa9: {  	s5 =	sadd.s32 @p0 $0x11B8D, s5;
	s6 =	sshll.u32 @p0 s4, $0x11  }
0xaa: {  	s5 =	sor.u32 @p0 s6, s5  }
0xab: {  	[sflag:s5] =	ssyncadd.remote.s32 @p0 $0x1;
	_ =	sdelay $0x1  }
0xac: {  	s5 =	simm.s32 @p0 $0x1B8D  }
0xad: {  	_ =	swait.eq @p0 [sflag:s5], $0x1  }
0xae: {  	[sflag:s5] =	ssyncadd.s32 @p0 $0xFFFFFFFF  }
0xaf: {  	s6 =	sshll.u32 @!p0 s1, $0xE  }
0xb0: {  	s6 =	sor.u32 @!p0 $0x4000, s6;
	s5 =	simm.s32 @!p0 $0x1B8D  }
0xb1: {  	s4 =	sshll.u32 @!p0 s4, $0x11;
	s6 =	sadd.s32 @!p0 $0x11B8D, s6;
	_ =	swait.eq @!p0 [sflag:s5], $0x1  }
0xb2: {  	s4 =	sor.u32 @!p0 s4, s6;
	[sflag:s5] =	ssyncadd.s32 @!p0 $0xFFFFFFFF  }
0xb3: {  	s25 =	simm.s32 $0x1B8E;
	s24 =	sld [smem:$0x3FFE];
	[sflag:s4] =	ssyncadd.remote.s32 @!p0 $0x1  }
0xb4: {  	s26 =	simm.s32 $execute0_lowered;
	[smem:$0x3FD2] =	sst s25  }
0xb5: {  	s5 =	sshll.u32 s26, $0x1;
	_ =	strace $0x8000004C;
	[dreg:$0x1] =	wrdreg $0xFFFFFFFF  }
0xb6: {  	s28 =	simm.s32 $_size_execute0_lowered;
	s3 =	sadd.s32 s3, s5;
	[dreg:$0x0] =	wrdreg $0x0  }
0xb7: {  	s5 =	sshll.u32 s28, $0x1;
	[dreg:$0x2] =	wrdreg s3  }
0xb8: {  	[dreg:$0x3] =	wrdreg s5  }
0xb9: {  	[dreg:$0x4] =	wrdreg $0xC0  }
0xba: {  	_ =	task [dreg:s22], $0x5FFFF  }
0xbb: {  	[dreg:$0x1] =	wrdreg $0xFFFFFFFF  }
0xbc: {  	[dreg:$0x0] =	wrdreg $0x60  }
0xbd: {  	[dreg:$0x2] =	wrdreg s24  }
0xbe: {  	[dreg:$0x3] =	wrdreg $0xB  }
0xbf: {  	_ =	task.clear_ibuf [dreg:s22], $0x4FFFF;
	_ =	strace $0x9000004C  }
0xc0: {  	s29 =	simm.s32 $0xB;
	_ =	strace $0x8000004E  }
0xc1: {  	_ =	swait.ge [sflag:s29], $0x1  }
0xc2: {  	[sflag:s29] =	ssyncadd.s32 $0xFFFFFFFF  }
0xc3: {  	_ =	strace $0x9000004E  }
0xc4: {  	_ =	sfence  }
0xc5: {  	s30 =	sld [smem:$0x0];
	_ =	sdelay $0x2  }
0xc6: {  	s31 =	sshll.u32 s1, $0xD;
	s1 =	sshrl.u32 s1, $0x2  }
0xc7: {  	s4 =	sand.u32 $0x4000, s31;
	s1 =	sadd.s32 s1, s30  }
0xc8: {  	s0 =	sor.u32 s4, s0;
	s1 =	sshll.u32 s1, $0x11  }
0xc9: {  	s0 =	sor.u32 s1, s0  }
0xca: {  	s0 =	sadd.s32 $0x8F2B, s0  }
0xcb: {  	[sflag:s0] =	ssyncadd.remote.s32 $0x1  }
0xcc: {  	_ =	sfence.sel $0xFFFF  }
0xcd: {  	[dreg:$0x0] =	wrdreg $0xFFFFFFFF;
	(pc) =	sbr.abs _section_cstart, $3  }
0xce: {  	[dreg:$0x1] =	wrdreg $0xFFFFFFFF  }
0xcf: {  	_ =	task.clear_ibuf [dreg:s22], $0x2FFFF;
	_ =	strace $0x9FFFFFFF  }
0xd0: {  	(tm) =	ssettm $0x7FFFFFFF  }
0xd1: {  	_ =	shalt  }
tec
execute0_lowered:
.L_overlay_start_1:
0x0: {  	(tag) =	ssettag $0x1  }
0x1: {  	s1 =	srdreg.scid;
	s0 =	stileid.u32  }
0x2: {  	s26 =	sand.u32 $0x1, s1;
	s31 =	sshll.u32 s0, $0x1  }
0x3: {  	s12 =	sor.u32 s26, s31  }
0x4: {  	s3 =	smul.u32 $0xD00, s12  }
0x5: {  	s15 =	rddreg [dreg:$0x0]  }
0x6: {  	s2 =	simm.s32 $0x0;
	s1 =	rddreg [dreg:$0x1];
	s3 =	sshrl.u32 s3, $0x3  }
0x7: {  	[smem:$0x7FF] =	sst s2;
	s24 =	sadd.s32 s3, s15  }
0x8: {  	_ =	strace $0x8000004D;
	s3 =	simm.s32 $0x3;
	s4 =	sadd.s32 $0x4E00, s24  }
0x9: {  	[tilespmem:s2], [sflag:$0x3] =	stream.linear.gather [hbm4b:s4+s2], $0x1A0, $0x38;
	[tilespmem:$0x1A400] =	vst v63  }
0xa: {  	_ =	swait.ge [sflag:s3], $0x1A0  }
0xb: {  	s6 =	simm.s32 $0x1A0;
	[sflag:s3] =	ssyncset.done $0x0  }
0xc: {  	s7 =	simm.s32 $0x400;
	s5 =	sadd.s32 $0xCE00, s15;
	[sflag:s3] =	ssyncadd.s32 $0xFFFFFE60  }
0xd: {  	[tilespmem:s7], [sflag:$0x1] =	stream.indirect.gather [hbm4b:s5+s6], $0x80, s2, s6, $0xb8;
	[tilespmem:$0x1A400] =	vst v63  }
0xe: {  	s9 =	simm.s32 $0x200;
	s8 =	sadd.s32 $0x4E34, s24  }
0xf: {  	[tilespmem:s9], [sflag:$0x3] =	stream.linear.gather [hbm4b:s8+s2], $0x1A0, $0x38;
	[tilespmem:$0x1A400] =	vst v63  }
0x10: {  	_ =	swait.ge [sflag:s3], $0x1A0  }
0x11: {  	[sflag:s3] =	ssyncset.done $0x0  }
0x12: {  	s10 =	simm.s32 $0xD400;
	s11 =	simm.s32 $0x1;
	[sflag:s3] =	ssyncadd.s32 $0xFFFFFE60  }
0x13: {  	[tilespmem:s10], [sflag:$0x2] =	stream.indirect.gather [hbm4b:s5+s6], $0x80, s9, s6, $0xb8;
	[tilespmem:$0x1A400] =	vst v63  }
0x14: {  	s28 =	smul.u32 $0xD000, s12;
	_ =	swait.ge [sflag:s11], $0xD000  }
0x15: {  	s25 =	sadd.s32 $0xAEF200, s15;
	[sflag:s11] =	ssyncset.done $0x0  }
0x16: {  	s12 =	sadd.s32 s25, s28;
	[sflag:s11] =	ssyncadd.s32 $0xFFFF3000  }
0x17: {  	[hbm4b:s12+s2] =	stream.linear.scatter [tilespmem:s7], [sflag:$0x3], $0xD000, $0x38;
	[tilespmem:$0x1A400] =	vst v63  }
0x18: {  	_ =	swait.ge [sflag:s3], $0xD000  }
0x19: {  	[sflag:s3] =	ssyncset.done $0x0  }
0x1a: {  	s13 =	sadd.s32 $0x4E68, s24;
	[sflag:s3] =	ssyncadd.s32 $0xFFFF3000  }
0x1b: {  	[tilespmem:s2], [sflag:$0x3] =	stream.linear.gather [hbm4b:s13+s2], $0x1A0, $0x38;
	[tilespmem:$0x1A400] =	vst v63  }
0x1c: {  	_ =	swait.ge [sflag:s3], $0x1A0  }
0x1d: {  	[sflag:s3] =	ssyncset.done $0x0  }
0x1e: {  	s14 =	simm.s32 $0x2;
	[sflag:s3] =	ssyncadd.s32 $0xFFFFFE60  }
0x1f: {  	[tilespmem:s7], [sflag:$0x1] =	stream.indirect.gather [hbm4b:s5+s6], $0x80, s2, s6, $0xb8;
	[tilespmem:$0x1A400] =	vst v63  }
0x20: {  	_ =	swait.ge [sflag:s14], $0xD000  }
0x21: {  	s29 =	sadd.s32 $0xAF0C00, s15;
	[sflag:s14] =	ssyncset.done $0x0  }
0x22: {  	s15 =	sadd.s32 s28, s29;
	[sflag:s14] =	ssyncadd.s32 $0xFFFF3000  }
0x23: {  	[hbm4b:s15+s2] =	stream.linear.scatter [tilespmem:s10], [sflag:$0x3], $0xD000, $0x38;
	[tilespmem:$0x1A400] =	vst v63  }
0x24: {  	_ =	swait.ge [sflag:s3], $0xD000  }
0x25: {  	[sflag:s3] =	ssyncset.done $0x0  }
0x26: {  	s16 =	sadd.s32 $0x4E9C, s24;
	[sflag:s3] =	ssyncadd.s32 $0xFFFF3000  }
0x27: {  	[tilespmem:s9], [sflag:$0x3] =	stream.linear.gather [hbm4b:s16+s2], $0x1A0, $0x38;
	[tilespmem:$0x1A400] =	vst v63  }
0x28: {  	_ =	swait.ge [sflag:s3], $0x1A0  }
0x29: {  	[sflag:s3] =	ssyncset.done $0x0  }
0x2a: {  	[sflag:s3] =	ssyncadd.s32 $0xFFFFFE60  }
0x2b: {  	[tilespmem:s10], [sflag:$0x2] =	stream.indirect.gather [hbm4b:s5+s6], $0x80, s9, s6, $0xb8;
	[tilespmem:$0x1A400] =	vst v63  }
0x2c: {  	_ =	swait.ge [sflag:s11], $0xD000  }
0x2d: {  	s19 =	sadd.s32 $0x3400, s28;
	[sflag:s11] =	ssyncset.done $0x0  }
0x2e: {  	s17 =	sadd.s32 s25, s19;
	[sflag:s11] =	ssyncadd.s32 $0xFFFF3000  }
0x2f: {  	[hbm4b:s17+s2] =	stream.linear.scatter [tilespmem:s7], [sflag:$0x3], $0xD000, $0x38;
	[tilespmem:$0x1A400] =	vst v63  }
0x30: {  	_ =	swait.ge [sflag:s3], $0xD000  }
0x31: {  	[sflag:s3] =	ssyncset.done $0x0  }
0x32: {  	s18 =	sadd.s32 $0x4ED0, s24;
	[sflag:s3] =	ssyncadd.s32 $0xFFFF3000  }
0x33: {  	[tilespmem:s2], [sflag:$0x3] =	stream.linear.gather [hbm4b:s18+s2], $0x1A0, $0x38;
	[tilespmem:$0x1A400] =	vst v63  }
0x34: {  	_ =	swait.ge [sflag:s3], $0x1A0  }
0x35: {  	[sflag:s3] =	ssyncset.done $0x0  }
0x36: {  	[sflag:s3] =	ssyncadd.s32 $0xFFFFFE60  }
0x37: {  	[tilespmem:s7], [sflag:$0x1] =	stream.indirect.gather [hbm4b:s5+s6], $0x80, s2, s6, $0xb8;
	[tilespmem:$0x1A400] =	vst v63  }
0x38: {  	_ =	swait.ge [sflag:s14], $0xD000  }
0x39: {  	[sflag:s14] =	ssyncset.done $0x0  }
0x3a: {  	s19 =	sadd.s32 s19, s29;
	[sflag:s14] =	ssyncadd.s32 $0xFFFF3000  }
0x3b: {  	[hbm4b:s19+s2] =	stream.linear.scatter [tilespmem:s10], [sflag:$0x3], $0xD000, $0x38;
	[tilespmem:$0x1A400] =	vst v63  }
0x3c: {  	_ =	swait.ge [sflag:s3], $0xD000  }
0x3d: {  	[sflag:s3] =	ssyncset.done $0x0  }
0x3e: {  	s20 =	sadd.s32 $0x4F04, s24;
	[sflag:s3] =	ssyncadd.s32 $0xFFFF3000  }
0x3f: {  	[tilespmem:s9], [sflag:$0x3] =	stream.linear.gather [hbm4b:s20+s2], $0x1A0, $0x38;
	[tilespmem:$0x1A400] =	vst v63  }
0x40: {  	_ =	swait.ge [sflag:s3], $0x1A0  }
0x41: {  	[sflag:s3] =	ssyncset.done $0x0  }
0x42: {  	[sflag:s3] =	ssyncadd.s32 $0xFFFFFE60  }
0x43: {  	[tilespmem:s10], [sflag:$0x2] =	stream.indirect.gather [hbm4b:s5+s6], $0x80, s9, s6, $0xb8;
	[tilespmem:$0x1A400] =	vst v63  }
0x44: {  	_ =	swait.ge [sflag:s11], $0xD000  }
0x45: {  	s23 =	sadd.s32 $0x6800, s28;
	[sflag:s11] =	ssyncset.done $0x0  }
0x46: {  	s21 =	sadd.s32 s25, s23;
	[sflag:s11] =	ssyncadd.s32 $0xFFFF3000  }
0x47: {  	[hbm4b:s21+s2] =	stream.linear.scatter [tilespmem:s7], [sflag:$0x3], $0xD000, $0x38;
	[tilespmem:$0x1A400] =	vst v63  }
0x48: {  	_ =	swait.ge [sflag:s3], $0xD000  }
0x49: {  	[sflag:s3] =	ssyncset.done $0x0  }
0x4a: {  	s22 =	sadd.s32 $0x4F38, s24;
	[sflag:s3] =	ssyncadd.s32 $0xFFFF3000  }
0x4b: {  	[tilespmem:s2], [sflag:$0x3] =	stream.linear.gather [hbm4b:s22+s2], $0x1A0, $0x38;
	[tilespmem:$0x1A400] =	vst v63  }
0x4c: {  	_ =	swait.ge [sflag:s3], $0x1A0  }
0x4d: {  	[sflag:s3] =	ssyncset.done $0x0  }
0x4e: {  	[sflag:s3] =	ssyncadd.s32 $0xFFFFFE60  }
0x4f: {  	[tilespmem:s7], [sflag:$0x1] =	stream.indirect.gather [hbm4b:s5+s6], $0x80, s2, s6, $0xb8;
	[tilespmem:$0x1A400] =	vst v63  }
0x50: {  	_ =	swait.ge [sflag:s14], $0xD000  }
0x51: {  	[sflag:s14] =	ssyncset.done $0x0  }
0x52: {  	s23 =	sadd.s32 s23, s29;
	[sflag:s14] =	ssyncadd.s32 $0xFFFF3000  }
0x53: {  	[hbm4b:s23+s2] =	stream.linear.scatter [tilespmem:s10], [sflag:$0x3], $0xD000, $0x38;
	[tilespmem:$0x1A400] =	vst v63  }
0x54: {  	_ =	swait.ge [sflag:s3], $0xD000  }
0x55: {  	[sflag:s3] =	ssyncset.done $0x0  }
0x56: {  	s24 =	sadd.s32 $0x4F6C, s24;
	[sflag:s3] =	ssyncadd.s32 $0xFFFF3000  }
0x57: {  	[tilespmem:s9], [sflag:$0x3] =	stream.linear.gather [hbm4b:s24+s2], $0x1A0, $0x38;
	[tilespmem:$0x1A400] =	vst v63  }
0x58: {  	_ =	swait.ge [sflag:s3], $0x1A0  }
0x59: {  	[sflag:s3] =	ssyncset.done $0x0  }
0x5a: {  	[sflag:s3] =	ssyncadd.s32 $0xFFFFFE60  }
0x5b: {  	[tilespmem:s10], [sflag:$0x2] =	stream.indirect.gather [hbm4b:s5+s6], $0x80, s9, s6, $0xb8;
	[tilespmem:$0x1A400] =	vst v63  }
0x5c: {  	_ =	swait.ge [sflag:s11], $0xD000  }
0x5d: {  	s28 =	sadd.s32 $0x9C00, s28;
	[sflag:s11] =	ssyncset.done $0x0  }
0x5e: {  	s26 =	ssub.s32 $0x2, s26;
	s25 =	sadd.s32 s25, s28;
	[sflag:s11] =	ssyncadd.s32 $0xFFFF3000  }
0x5f: {  	[hbm4b:s25+s2] =	stream.linear.scatter [tilespmem:s7], [sflag:$0x3], $0xD000, $0x38;
	[tilespmem:$0x1A400] =	vst v63  }
0x60: {  	s30 =	sshrl.u32 s26, $0x1;
	_ =	swait.ge [sflag:s3], $0xD000  }
0x61: {  	s30 =	ssub.s32 s26, s30;
	[sflag:s3] =	ssyncset.done $0x0  }
0x62: {  	s26 =	sadd.s32 s28, s29;
	s28 =	smax.u32 s30, $0x1;
	[sflag:s3] =	ssyncadd.s32 $0xFFFF3000  }
0x63: {  	p0 =	sne.s32 s28, $0x1;
	_ =	swait.ge [sflag:s14], $0xD000  }
.Ltmp0:
0x64: {  	[sflag:s14] =	ssyncset.done $0x0;
	(pc) =	sbr.rel @!p0 .LBB2_2-.Ltmp0, $4  }
0x65: {  	[sflag:s14] =	ssyncadd.s32 $0xFFFF3000  }
0x66: {  	[hbm4b:s26+s2] =	stream.linear.scatter [tilespmem:s10], [sflag:$0x3], $0xD000, $0x38;
	[tilespmem:$0x1A400] =	vst v63  }
0x67: {  	_ =	swait.ge [sflag:s3], $0xD000  }
0x68: {  	s28 =	sadd.s32 $0xFFFFFFFF, s28;
	[sflag:s3] =	ssyncset.done $0x0  }
.LBB2_1:
0x69: {  	p0 =	sne.s32 s28, $0x1;
	s28 =	sadd.s32 $0xFFFFFFFF, s28;
	[sflag:s3] =	ssyncadd.s32 $0xFFFF3000  }
0x6a: {  	[tilespmem:s2], [sflag:$0x3] =	stream.linear.gather [hbm4b:s4+s2], $0x1A0, $0x38;
	[tilespmem:$0x1A400] =	vst v63  }
0x6b: {  	_ =	swait.ge [sflag:s3], $0x1A0  }
0x6c: {  	[sflag:s3] =	ssyncset.done $0x0  }
0x6d: {  	[sflag:s3] =	ssyncadd.s32 $0xFFFFFE60  }
0x6e: {  	[tilespmem:s7], [sflag:$0x1] =	stream.indirect.gather [hbm4b:s5+s6], $0x80, s2, s6, $0xb8;
	[tilespmem:$0x1A400] =	vst v63  }
0x6f: {  	_ = 	snop  }
0x70: {  	[tilespmem:s9], [sflag:$0x3] =	stream.linear.gather [hbm4b:s8+s2], $0x1A0, $0x38;
	[tilespmem:$0x1A400] =	vst v63  }
0x71: {  	_ =	swait.ge [sflag:s3], $0x1A0  }
0x72: {  	[sflag:s3] =	ssyncset.done $0x0  }
0x73: {  	[sflag:s3] =	ssyncadd.s32 $0xFFFFFE60  }
0x74: {  	[tilespmem:s10], [sflag:$0x2] =	stream.indirect.gather [hbm4b:s5+s6], $0x80, s9, s6, $0xb8;
	[tilespmem:$0x1A400] =	vst v63  }
0x75: {  	_ =	swait.ge [sflag:s11], $0xD000  }
0x76: {  	[sflag:s11] =	ssyncset.done $0x0  }
0x77: {  	[sflag:s11] =	ssyncadd.s32 $0xFFFF3000  }
0x78: {  	[hbm4b:s12+s2] =	stream.linear.scatter [tilespmem:s7], [sflag:$0x3], $0xD000, $0x38;
	[tilespmem:$0x1A400] =	vst v63  }
0x79: {  	_ =	swait.ge [sflag:s3], $0xD000  }
0x7a: {  	[sflag:s3] =	ssyncset.done $0x0  }
0x7b: {  	[sflag:s3] =	ssyncadd.s32 $0xFFFF3000  }
0x7c: {  	[tilespmem:s2], [sflag:$0x3] =	stream.linear.gather [hbm4b:s13+s2], $0x1A0, $0x38;
	[tilespmem:$0x1A400] =	vst v63  }
0x7d: {  	_ =	swait.ge [sflag:s3], $0x1A0  }
0x7e: {  	[sflag:s3] =	ssyncset.done $0x0  }
0x7f: {  	[sflag:s3] =	ssyncadd.s32 $0xFFFFFE60  }
0x80: {  	[tilespmem:s7], [sflag:$0x1] =	stream.indirect.gather [hbm4b:s5+s6], $0x80, s2, s6, $0xb8;
	[tilespmem:$0x1A400] =	vst v63  }
0x81: {  	_ =	swait.ge [sflag:s14], $0xD000  }
0x82: {  	[sflag:s14] =	ssyncset.done $0x0  }
0x83: {  	[sflag:s14] =	ssyncadd.s32 $0xFFFF3000  }
0x84: {  	[hbm4b:s15+s2] =	stream.linear.scatter [tilespmem:s10], [sflag:$0x3], $0xD000, $0x38;
	[tilespmem:$0x1A400] =	vst v63  }
0x85: {  	_ =	swait.ge [sflag:s3], $0xD000  }
0x86: {  	[sflag:s3] =	ssyncset.done $0x0  }
0x87: {  	[sflag:s3] =	ssyncadd.s32 $0xFFFF3000  }
0x88: {  	[tilespmem:s9], [sflag:$0x3] =	stream.linear.gather [hbm4b:s16+s2], $0x1A0, $0x38;
	[tilespmem:$0x1A400] =	vst v63  }
0x89: {  	_ =	swait.ge [sflag:s3], $0x1A0  }
0x8a: {  	[sflag:s3] =	ssyncset.done $0x0  }
0x8b: {  	[sflag:s3] =	ssyncadd.s32 $0xFFFFFE60  }
0x8c: {  	[tilespmem:s10], [sflag:$0x2] =	stream.indirect.gather [hbm4b:s5+s6], $0x80, s9, s6, $0xb8;
	[tilespmem:$0x1A400] =	vst v63  }
0x8d: {  	_ =	swait.ge [sflag:s11], $0xD000  }
0x8e: {  	[sflag:s11] =	ssyncset.done $0x0  }
0x8f: {  	[sflag:s11] =	ssyncadd.s32 $0xFFFF3000  }
0x90: {  	[hbm4b:s17+s2] =	stream.linear.scatter [tilespmem:s7], [sflag:$0x3], $0xD000, $0x38;
	[tilespmem:$0x1A400] =	vst v63  }
0x91: {  	_ =	swait.ge [sflag:s3], $0xD000  }
0x92: {  	[sflag:s3] =	ssyncset.done $0x0  }
0x93: {  	[sflag:s3] =	ssyncadd.s32 $0xFFFF3000  }
0x94: {  	[tilespmem:s2], [sflag:$0x3] =	stream.linear.gather [hbm4b:s18+s2], $0x1A0, $0x38;
	[tilespmem:$0x1A400] =	vst v63  }
0x95: {  	_ =	swait.ge [sflag:s3], $0x1A0  }
0x96: {  	[sflag:s3] =	ssyncset.done $0x0  }
0x97: {  	[sflag:s3] =	ssyncadd.s32 $0xFFFFFE60  }
0x98: {  	[tilespmem:s7], [sflag:$0x1] =	stream.indirect.gather [hbm4b:s5+s6], $0x80, s2, s6, $0xb8;
	[tilespmem:$0x1A400] =	vst v63  }
0x99: {  	_ =	swait.ge [sflag:s14], $0xD000  }
0x9a: {  	[sflag:s14] =	ssyncset.done $0x0  }
0x9b: {  	[sflag:s14] =	ssyncadd.s32 $0xFFFF3000  }
0x9c: {  	[hbm4b:s19+s2] =	stream.linear.scatter [tilespmem:s10], [sflag:$0x3], $0xD000, $0x38;
	[tilespmem:$0x1A400] =	vst v63  }
0x9d: {  	_ =	swait.ge [sflag:s3], $0xD000  }
0x9e: {  	[sflag:s3] =	ssyncset.done $0x0  }
0x9f: {  	[sflag:s3] =	ssyncadd.s32 $0xFFFF3000  }
0xa0: {  	[tilespmem:s9], [sflag:$0x3] =	stream.linear.gather [hbm4b:s20+s2], $0x1A0, $0x38;
	[tilespmem:$0x1A400] =	vst v63  }
0xa1: {  	_ =	swait.ge [sflag:s3], $0x1A0  }
0xa2: {  	[sflag:s3] =	ssyncset.done $0x0  }
0xa3: {  	[sflag:s3] =	ssyncadd.s32 $0xFFFFFE60  }
0xa4: {  	[tilespmem:s10], [sflag:$0x2] =	stream.indirect.gather [hbm4b:s5+s6], $0x80, s9, s6, $0xb8;
	[tilespmem:$0x1A400] =	vst v63  }
0xa5: {  	_ =	swait.ge [sflag:s11], $0xD000  }
0xa6: {  	[sflag:s11] =	ssyncset.done $0x0  }
0xa7: {  	[sflag:s11] =	ssyncadd.s32 $0xFFFF3000  }
0xa8: {  	[hbm4b:s21+s2] =	stream.linear.scatter [tilespmem:s7], [sflag:$0x3], $0xD000, $0x38;
	[tilespmem:$0x1A400] =	vst v63  }
0xa9: {  	_ =	swait.ge [sflag:s3], $0xD000  }
0xaa: {  	[sflag:s3] =	ssyncset.done $0x0  }
0xab: {  	[sflag:s3] =	ssyncadd.s32 $0xFFFF3000  }
0xac: {  	[tilespmem:s2], [sflag:$0x3] =	stream.linear.gather [hbm4b:s22+s2], $0x1A0, $0x38;
	[tilespmem:$0x1A400] =	vst v63  }
0xad: {  	_ =	swait.ge [sflag:s3], $0x1A0  }
0xae: {  	[sflag:s3] =	ssyncset.done $0x0  }
0xaf: {  	[sflag:s3] =	ssyncadd.s32 $0xFFFFFE60  }
0xb0: {  	[tilespmem:s7], [sflag:$0x1] =	stream.indirect.gather [hbm4b:s5+s6], $0x80, s2, s6, $0xb8;
	[tilespmem:$0x1A400] =	vst v63  }
0xb1: {  	_ =	swait.ge [sflag:s14], $0xD000  }
0xb2: {  	[sflag:s14] =	ssyncset.done $0x0  }
0xb3: {  	[sflag:s14] =	ssyncadd.s32 $0xFFFF3000  }
0xb4: {  	[hbm4b:s23+s2] =	stream.linear.scatter [tilespmem:s10], [sflag:$0x3], $0xD000, $0x38;
	[tilespmem:$0x1A400] =	vst v63  }
0xb5: {  	_ =	swait.ge [sflag:s3], $0xD000  }
0xb6: {  	[sflag:s3] =	ssyncset.done $0x0  }
0xb7: {  	[sflag:s3] =	ssyncadd.s32 $0xFFFF3000  }
0xb8: {  	[tilespmem:s9], [sflag:$0x3] =	stream.linear.gather [hbm4b:s24+s2], $0x1A0, $0x38;
	[tilespmem:$0x1A400] =	vst v63  }
0xb9: {  	_ =	swait.ge [sflag:s3], $0x1A0  }
0xba: {  	[sflag:s3] =	ssyncset.done $0x0  }
0xbb: {  	[sflag:s3] =	ssyncadd.s32 $0xFFFFFE60  }
0xbc: {  	[tilespmem:s10], [sflag:$0x2] =	stream.indirect.gather [hbm4b:s5+s6], $0x80, s9, s6, $0xb8;
	[tilespmem:$0x1A400] =	vst v63  }
0xbd: {  	_ =	swait.ge [sflag:s11], $0xD000  }
0xbe: {  	[sflag:s11] =	ssyncset.done $0x0  }
0xbf: {  	[sflag:s11] =	ssyncadd.s32 $0xFFFF3000  }
0xc0: {  	[hbm4b:s25+s2] =	stream.linear.scatter [tilespmem:s7], [sflag:$0x3], $0xD000, $0x38;
	[tilespmem:$0x1A400] =	vst v63  }
0xc1: {  	_ =	swait.ge [sflag:s3], $0xD000  }
0xc2: {  	[sflag:s3] =	ssyncset.done $0x0  }
0xc3: {  	[sflag:s3] =	ssyncadd.s32 $0xFFFF3000  }
0xc4: {  	_ =	swait.ge [sflag:s14], $0xD000  }
.Ltmp1:
0xc5: {  	[sflag:s14] =	ssyncset.done $0x0;
	(pc) =	sbr.rel @p0 .LBB2_1-.Ltmp1, $4  }
0xc6: {  	[sflag:s14] =	ssyncadd.s32 $0xFFFF3000  }
0xc7: {  	[hbm4b:s26+s2] =	stream.linear.scatter [tilespmem:s10], [sflag:$0x3], $0xD000, $0x38;
	[tilespmem:$0x1A400] =	vst v63  }
0xc8: {  	_ =	swait.ge [sflag:s3], $0xD000  }
0xc9: {  	[sflag:s3] =	ssyncset.done $0x0  }
.LBB2_2:
0xca: {  	[sflag:s3] =	ssyncadd.s32 $0xFFFF3000  }
0xcb: {  	_ =	sfence.sel $0x180000  }
0xcc: {  	[bflag:$0x0] =	sbarrier.arrive $0xFFFF  }
0xcd: {  	p0 =	sne.s32 s0, $0x0;
	_ =	strace $0x9000004D  }
0xce: {  	s0 =	sadd.s32 @!p0 $0x100000, s1;
	[bflag:$0x2] =	sbarrier.arrive $0xFFFF  }
0xcf: {  	[sflag:s0] =	ssyncadd.tile.s32 @!p0 $0x1;
	_ =	shalt  }
.Lfunc_end2:
_tile_overlayer_lowered:
.L_overlay_start_2:
0xd0: {  	(tag) =	ssettag $0x2  }
0xd1: {  	s0 =	rddreg [dreg:$0x0];
	s2 =	stileid.u32  }
0xd2: {  	s1 =	rddreg [dreg:$0x1];
	p0 =	sne.s32 s2, $0x0  }
0xd3: {  	s3 =	rddreg [dreg:$0x2];
	[bflag:$0x3] =	sbarrier.arrive $0xFFFF;
	s2 =	simm.s32 @!p0 $0x1C03  }
0xd4: {  	[timem:s3], [sflag:s2] =	dma.local @!p0 [hbm:s0], s1  }
0xd5: {  	s0 =	simm.s32 @!p0 $0x3  }
0xd6: {  	_ =	swait.ge @!p0 [sflag:s0], s1  }
0xd7: {  	s1 =	ssub.s32 @!p0 $0x0, s1;
	[sflag:s0] =	ssyncset.done @!p0 $0x0  }
0xd8: {  	[sflag:s0] =	ssyncadd.s32 @!p0 s1  }
0xd9: {  	[bflag:$0x3] =	sbarrier.arrive $0xFFFF  }
0xda: {  	_ =	shalt  }

// kernel: kernel.20.cloned.1.call-start
scs
__scs_entry_jumppad:
0x0: {  	(pc) =	sbr.rel $0x88, $3  }
0x1: {  	(tag) =	ssettag $0x0;
	lr =	simm.s32 $0x1  }
0x2: {  	[smem:$0x3F9D] =	sst lr;
	_ =	strace $0xD0000000  }
0x3: {  	_ = 	snop  }
0x4: {  	_ = 	snop  }
0x5: {  	_ = 	snop  }
0x6: {  	_ = 	snop  }
0x7: {  	_ = 	snop  }
__scs_overlays_trampoline_lowered:
0x8: {  	[smem:$0x3FAC] =	sst s0  }
0x9: {  	[smem:$0x3FAD] =	sst s1  }
0xa: {  	[smem:$0x3FAE] =	sst s2  }
0xb: {  	[smem:$0x3FAF] =	sst s3  }
0xc: {  	[smem:$0x3FB0] =	sst s4  }
0xd: {  	[smem:$0x3FB1] =	sst s5  }
0xe: {  	[smem:$0x3FB2] =	sst s6  }
0xf: {  	[smem:$0x3FB3] =	sst s7  }
0x10: {  	[smem:$0x3FB4] =	sst s8  }
0x11: {  	[smem:$0x3FB5] =	sst s9;
	s0 =	simm.s32 @!p0 $0x0  }
0x12: {  	s1 =	sld [smem:$0x3F9B];
	s0 =	simm.s32 @p0 $0x1  }
0x13: {  	[smem:$0x3FB6] =	sst s0;
	s0 =	simm.s32 @!p1 $0x0  }
0x14: {  	s2 =	sld [smem:$0x3F9A];
	s0 =	simm.s32 @p1 $0x1  }
0x15: {  	[smem:$0x3FB7] =	sst s0;
	s0 =	simm.s32 @!p2 $0x0  }
0x16: {  	s3 =	sld [smem:$0x3FDB];
	s0 =	simm.s32 @p2 $0x1  }
0x17: {  	s4 =	simm.s32 $0x1BF5;
	[smem:$0x3FB9] =	sst s0  }
0x18: {  	s0 =	sld [smem:$0x3F9C];
	_ =	swait.ge [sflag:s4], $0x0  }
0x19: {  	s7 =	sld [smem:$0x3F9D]  }
0x1a: {  	s8 =	sadd.s32 $0xFFFFE003, lr  }
0x1b: {  	s9 =	sadd.s32 $0xFFFFFEF7, lr;
	s5 =	simm.s32 $0xFFFFFFFF;
	p2 =	slt.u32 s8, $0xFFFFF086  }
0x1c: {  	p1 =	slt.u32 s9, $0xF7A;
	s5 =	simm.s32 @!p2 $0x0  }
0x1d: {  	s5 =	simm.s32 @p1 $0x1;
	p0 =	seq.s32 s7, s2  }
0x1e: {  	s7 =	smul.u32 @!p0 $0xF7A, s2;
	p2 =	seq.s32 @!p0 s5, $0x0  }
0x1f: {  	s9 =	smul.u32 $0xF7A, s1;
	s8 =	simm.s32 @!p0 $0x1BF5;
	p2 =	por !p2, p0  }
0x20: {  	[sflag:s8] =	ssyncset.s32 @!p0 $0xFFFFF086;
	s6 =	sadd.s32 @!p0 s3, s7;
	s7 =	simm.s32 @!p0 $0x108  }
0x21: {  	s3 =	sadd.s32 s3, s9;
	s6 =	sadd.s32 @!p0 $0x88, s6;
	s7 =	simm.s32 @p2 $0x1082  }
0x22: {  	[simem:s7], [sflag:s8] =	dma.local @!p0 [hbm:s6], $0xF7A  }
0x23: {  	s9 =	sor.u32 $0xD0000000, s2;
	s6 =	simm.s32 $0x108;
	_ =	swait.ge @!p0 [sflag:s8], $0x0  }
0x24: {  	s3 =	sadd.s32 $0x88, s3;
	s6 =	simm.s32 @!p1 $0x1082;
	[sflag:s4] =	ssyncset.s32 $0xFFFFF086  }
0x25: {  	[simem:s6], [sflag:s4] =	dma.local [hbm:s3], $0xF7A  }
0x26: {  	[smem:$0x3F9D] =	sst s1;
	(tag) =	ssettag s2;
	_ =	strace s9  }
0x27: {  	s1 =	sld [smem:$0x3FAD]  }
0x28: {  	s2 =	sld [smem:$0x3FAE]  }
0x29: {  	s4 =	sld [smem:$0x3FB0]  }
0x2a: {  	p0 =	seq.s32 s5, $0x0;
	s5 =	sld [smem:$0x3FB1]  }
0x2b: {  	s6 =	sld [smem:$0x3FB2]  }
0x2c: {  	s7 =	sld [smem:$0x3FB3]  }
0x2d: {  	s3 =	simm.s32 $0x108;
	s8 =	sld [smem:$0x3FB4]  }
0x2e: {  	s3 =	simm.s32 @!p0 $0x1082;
	s9 =	sld [smem:$0x3FB5]  }
0x2f: {  	lr =	sadd.s32 s0, s3;
	s0 =	sld [smem:$0x3FAC]  }
0x30: {  	s3 =	sld [smem:$0x3FAF]  }
0x31: {  	[smem:$0x3FB8] =	sst s10  }
0x32: {  	s10 =	sld [smem:$0x3FB6];
	_ =	sdelay $0x3  }
0x33: {  	p0 =	seq.s32 s10, $0x1;
	s10 =	sld [smem:$0x3FB8];
	_ =	sdelay $0x3  }
0x34: {  	[smem:$0x3FB8] =	sst s10  }
0x35: {  	s10 =	sld [smem:$0x3FB7];
	_ =	sdelay $0x3  }
0x36: {  	p1 =	seq.s32 s10, $0x1;
	s10 =	sld [smem:$0x3FB8];
	_ =	sdelay $0x3  }
0x37: {  	[smem:$0x3FB8] =	sst s10  }
0x38: {  	s10 =	sld [smem:$0x3FB9]  }
0x39: {  	_ = 	snop;
	(pc) =	sbr.ind lr, $3  }
0x3a: {  	_ = 	snop  }
0x3b: {  	_ = 	snop  }
0x3c: {  	p2 =	seq.s32 s10, $0x1;
	s10 =	sld [smem:$0x3FB8]  }
0x3d: {  	_ =	shalt  }
0x3e: {  	_ =	shalt  }
0x3f: {  	_ =	shalt  }
0x40: {  	_ =	shalt  }
0x41: {  	_ =	shalt  }
0x42: {  	_ =	shalt  }
0x43: {  	_ =	shalt  }
0x44: {  	_ =	shalt  }
0x45: {  	_ =	shalt  }
0x46: {  	_ =	shalt  }
0x47: {  	_ =	shalt  }
0x48: {  	_ =	shalt  }
0x49: {  	_ =	shalt  }
0x4a: {  	_ =	shalt  }
0x4b: {  	_ =	shalt  }
0x4c: {  	_ =	shalt  }
0x4d: {  	_ =	shalt  }
0x4e: {  	_ =	shalt  }
0x4f: {  	_ =	shalt  }
0x50: {  	_ =	shalt  }
0x51: {  	_ =	shalt  }
0x52: {  	_ =	shalt  }
0x53: {  	_ =	shalt  }
0x54: {  	_ =	shalt  }
0x55: {  	_ =	shalt  }
0x56: {  	_ =	shalt  }
0x57: {  	_ =	shalt  }
0x58: {  	_ =	shalt  }
0x59: {  	_ =	shalt  }
0x5a: {  	_ =	shalt  }
0x5b: {  	_ =	shalt  }
0x5c: {  	_ =	shalt  }
0x5d: {  	_ =	shalt  }
0x5e: {  	_ =	shalt  }
0x5f: {  	_ =	shalt  }
0x60: {  	_ =	shalt  }
0x61: {  	_ =	shalt  }
0x62: {  	_ =	shalt  }
0x63: {  	_ =	shalt  }
0x64: {  	_ =	shalt  }
0x65: {  	_ =	shalt  }
0x66: {  	_ =	shalt  }
0x67: {  	_ =	shalt  }
0x68: {  	_ =	shalt  }
0x69: {  	_ =	shalt  }
0x6a: {  	_ =	shalt  }
0x6b: {  	_ =	shalt  }
0x6c: {  	_ =	shalt  }
0x6d: {  	_ =	shalt  }
0x6e: {  	_ =	shalt  }
0x6f: {  	_ =	shalt  }
0x70: {  	_ =	shalt  }
0x71: {  	_ =	shalt  }
0x72: {  	_ =	shalt  }
0x73: {  	_ =	shalt  }
0x74: {  	_ =	shalt  }
0x75: {  	_ =	shalt  }
0x76: {  	_ =	shalt  }
0x77: {  	_ =	shalt  }
0x78: {  	_ =	shalt  }
0x79: {  	_ =	shalt  }
0x7a: {  	_ =	shalt  }
0x7b: {  	_ =	shalt  }
0x7c: {  	_ =	shalt  }
0x7d: {  	_ =	shalt  }
0x7e: {  	_ =	shalt  }
0x7f: {  	_ =	shalt  }
0x80: {  	_ =	shalt  }
0x81: {  	_ =	shalt  }
0x82: {  	_ =	shalt  }
0x83: {  	_ =	shalt  }
0x84: {  	_ =	shalt  }
0x85: {  	_ =	shalt  }
0x86: {  	_ =	shalt  }
0x87: {  	_ =	shalt  }
.Lfunc_end0:
.L_simem_size_0:
called_computation.3_lowered:
.L_overlay_start_0:
0x88: {  	s2 =	sld [smem:$0x3FD9]  }
0x89: {  	s3 =	sld [smem:$0x3FFE];
	_ =	sdelay $0x1  }
0x8a: {  	s1 =	srdreg.scid  }
0x8b: {  	s0 =	sand.u32 $0x1, s1  }
0x8c: {  	s17 =	sshll.u32 s0, $0xA;
	s2 =	sadd.s32 s3, s2  }
0x8d: {  	s2 =	sadd.s32 s2, s17  }
0x8e: {  	[smem:$0x3FC4] =	sst s2  }
0x8f: {  	_ = 	snop  }
0x90: {  	(tm) =	ssettm $0x1  }
0x91: {  	s18 =	sld [smem:$0x3FFB];
	_ =	sdelay $0x3  }
0x92: {  	_ =	strace s18  }
0x93: {  	s2 =	sld [smem:$0x3FFC];
	_ =	sdelay $0x3  }
0x94: {  	_ =	strace s2  }
0x95: {  	s2 =	sld [smem:$0x3FFD];
	_ =	sdelay $0x3  }
0x96: {  	_ =	strace s2  }
0x97: {  	_ =	strace $0x8FFFFFFF  }
0x98: {  	s19 =	sld [smem:$0x3FDB];
	_ =	sdelay $0x1  }
0x99: {  	s20 =	simm.s32 $_scs_section_size  }
0x9a: {  	s4 =	simm.s32 $_size__tile_overlayer_lowered;
	s5 =	simm.s32 $_tile_overlayer_lowered  }
0x9b: {  	s6 =	simm.s32 $0x1BFF;
	s21 =	sshll.u32 s5, $0x1;
	s3 =	sadd.s32 s20, s19  }
0x9c: {  	s22 =	simm.s32 $0x0;
	s4 =	sshll.u32 s4, $0x1;
	s5 =	sadd.s32 s21, s3  }
0x9d: {  	[timem:s22], [sflag:s6] =	dma.local [hbm:s5], s4  }
0x9e: {  	_ =	swait.ge [sflag:s6], s4  }
0x9f: {  	s4 =	ssub.s32 $0x0, s4;
	[sflag:s6] =	ssyncset.done $0x0  }
0xa0: {  	[sflag:s6] =	ssyncadd.s32 s4;
	_ =	sdelay $0x1  }
0xa1: {  	s23 =	simm.s32 $0x1B8B  }
0xa2: {  	_ =	swait.ge [sflag:s23], $0x1  }
0xa3: {  	[sflag:s23] =	ssyncset.done $0x0  }
0xa4: {  	[sflag:s23] =	ssyncadd.s32 $0xFFFFFFFF  }
0xa5: {  	s4 =	sld [smem:$0x0]  }
0xa6: {  	s5 =	sand.u32 $0xFFFFFFFE, s1  }
0xa7: {  	p0 =	sne.s32 s1, s5  }
0xa8: {  	s5 =	sshll.u32 @p0 s5, $0xE  }
0xa9: {  	s5 =	sadd.s32 @p0 $0x11B8D, s5;
	s6 =	sshll.u32 @p0 s4, $0x11  }
0xaa: {  	s5 =	sor.u32 @p0 s6, s5  }
0xab: {  	[sflag:s5] =	ssyncadd.remote.s32 @p0 $0x1;
	_ =	sdelay $0x1  }
0xac: {  	s5 =	simm.s32 @p0 $0x1B8D  }
0xad: {  	_ =	swait.eq @p0 [sflag:s5], $0x1  }
0xae: {  	[sflag:s5] =	ssyncadd.s32 @p0 $0xFFFFFFFF  }
0xaf: {  	s6 =	sshll.u32 @!p0 s1, $0xE  }
0xb0: {  	s6 =	sor.u32 @!p0 $0x4000, s6;
	s5 =	simm.s32 @!p0 $0x1B8D  }
0xb1: {  	s4 =	sshll.u32 @!p0 s4, $0x11;
	s6 =	sadd.s32 @!p0 $0x11B8D, s6;
	_ =	swait.eq @!p0 [sflag:s5], $0x1  }
0xb2: {  	s4 =	sor.u32 @!p0 s4, s6;
	[sflag:s5] =	ssyncadd.s32 @!p0 $0xFFFFFFFF  }
0xb3: {  	s25 =	simm.s32 $0x1B8E;
	s24 =	sld [smem:$0x3FFE];
	[sflag:s4] =	ssyncadd.remote.s32 @!p0 $0x1  }
0xb4: {  	s26 =	simm.s32 $execute0_lowered;
	[smem:$0x3FD2] =	sst s25  }
0xb5: {  	s5 =	sshll.u32 s26, $0x1;
	_ =	strace $0x8000004F;
	[dreg:$0x1] =	wrdreg $0xFFFFFFFF  }
0xb6: {  	s28 =	simm.s32 $_size_execute0_lowered;
	s3 =	sadd.s32 s3, s5;
	[dreg:$0x0] =	wrdreg $0x0  }
0xb7: {  	s5 =	sshll.u32 s28, $0x1;
	[dreg:$0x2] =	wrdreg s3  }
0xb8: {  	[dreg:$0x3] =	wrdreg s5  }
0xb9: {  	[dreg:$0x4] =	wrdreg $0xC0  }
0xba: {  	_ =	task [dreg:s22], $0x5FFFF  }
0xbb: {  	[dreg:$0x1] =	wrdreg $0xFFFFFFFF  }
0xbc: {  	[dreg:$0x0] =	wrdreg $0x60  }
0xbd: {  	[dreg:$0x2] =	wrdreg s24  }
0xbe: {  	[dreg:$0x3] =	wrdreg $0xC  }
0xbf: {  	_ =	task.clear_ibuf [dreg:s22], $0x4FFFF;
	_ =	strace $0x9000004F  }
0xc0: {  	s29 =	simm.s32 $0xC;
	_ =	strace $0x80000051  }
0xc1: {  	_ =	swait.ge [sflag:s29], $0x1  }
0xc2: {  	[sflag:s29] =	ssyncadd.s32 $0xFFFFFFFF  }
0xc3: {  	_ =	strace $0x90000051  }
0xc4: {  	_ =	sfence  }
0xc5: {  	s30 =	sld [smem:$0x0];
	_ =	sdelay $0x2  }
0xc6: {  	s31 =	sshll.u32 s1, $0xD;
	s1 =	sshrl.u32 s1, $0x2  }
0xc7: {  	s4 =	sand.u32 $0x4000, s31;
	s1 =	sadd.s32 s1, s30  }
0xc8: {  	s0 =	sor.u32 s4, s0;
	s1 =	sshll.u32 s1, $0x11  }
0xc9: {  	s0 =	sor.u32 s1, s0  }
0xca: {  	s0 =	sadd.s32 $0x8F2B, s0  }
0xcb: {  	[sflag:s0] =	ssyncadd.remote.s32 $0x1  }
0xcc: {  	_ =	sfence.sel $0xFFFF  }
0xcd: {  	[dreg:$0x0] =	wrdreg $0xFFFFFFFF;
	(pc) =	sbr.abs _section_cstart, $3  }
0xce: {  	[dreg:$0x1] =	wrdreg $0xFFFFFFFF  }
0xcf: {  	_ =	task.clear_ibuf [dreg:s22], $0x2FFFF;
	_ =	strace $0x9FFFFFFF  }
0xd0: {  	(tm) =	ssettm $0x7FFFFFFF  }
0xd1: {  	_ =	shalt  }
tec
execute0_lowered:
.L_overlay_start_1:
0x0: {  	(tag) =	ssettag $0x1  }
0x1: {  	s1 =	srdreg.scid;
	s0 =	stileid.u32  }
0x2: {  	s26 =	sand.u32 $0x1, s1;
	s31 =	sshll.u32 s0, $0x1  }
0x3: {  	s12 =	sor.u32 s26, s31  }
0x4: {  	s3 =	smul.u32 $0xD00, s12  }
0x5: {  	s15 =	rddreg [dreg:$0x0]  }
0x6: {  	s2 =	simm.s32 $0x0;
	s1 =	rddreg [dreg:$0x1];
	s3 =	sshrl.u32 s3, $0x3  }
0x7: {  	[smem:$0x7FF] =	sst s2;
	s24 =	sadd.s32 s3, s15  }
0x8: {  	_ =	strace $0x80000050;
	s3 =	simm.s32 $0x3;
	s4 =	sadd.s32 $0xC8F200, s24  }
0x9: {  	[tilespmem:s2], [sflag:$0x3] =	stream.linear.gather [hbm4b:s4+s2], $0x1A0, $0x38;
	[tilespmem:$0x1A400] =	vst v63  }
0xa: {  	_ =	swait.ge [sflag:s3], $0x1A0  }
0xb: {  	s6 =	simm.s32 $0x1A0;
	[sflag:s3] =	ssyncset.done $0x0  }
0xc: {  	s7 =	simm.s32 $0x400;
	s5 =	sadd.s32 $0xCE00, s15;
	[sflag:s3] =	ssyncadd.s32 $0xFFFFFE60  }
0xd: {  	[tilespmem:s7], [sflag:$0x1] =	stream.indirect.gather [hbm4b:s5+s6], $0x80, s2, s6, $0xb8;
	[tilespmem:$0x1A400] =	vst v63  }
0xe: {  	s9 =	simm.s32 $0x200;
	s8 =	sadd.s32 $0xC8F234, s24  }
0xf: {  	[tilespmem:s9], [sflag:$0x3] =	stream.linear.gather [hbm4b:s8+s2], $0x1A0, $0x38;
	[tilespmem:$0x1A400] =	vst v63  }
0x10: {  	_ =	swait.ge [sflag:s3], $0x1A0  }
0x11: {  	[sflag:s3] =	ssyncset.done $0x0  }
0x12: {  	s10 =	simm.s32 $0xD400;
	s11 =	simm.s32 $0x1;
	[sflag:s3] =	ssyncadd.s32 $0xFFFFFE60  }
0x13: {  	[tilespmem:s10], [sflag:$0x2] =	stream.indirect.gather [hbm4b:s5+s6], $0x80, s9, s6, $0xb8;
	[tilespmem:$0x1A400] =	vst v63  }
0x14: {  	s28 =	smul.u32 $0xD000, s12;
	_ =	swait.ge [sflag:s11], $0xD000  }
0x15: {  	s25 =	sadd.s32 $0xC92600, s15;
	[sflag:s11] =	ssyncset.done $0x0  }
0x16: {  	s12 =	sadd.s32 s25, s28;
	[sflag:s11] =	ssyncadd.s32 $0xFFFF3000  }
0x17: {  	[hbm4b:s12+s2] =	stream.linear.scatter [tilespmem:s7], [sflag:$0x3], $0xD000, $0x38;
	[tilespmem:$0x1A400] =	vst v63  }
0x18: {  	_ =	swait.ge [sflag:s3], $0xD000  }
0x19: {  	[sflag:s3] =	ssyncset.done $0x0  }
0x1a: {  	s13 =	sadd.s32 $0xC8F268, s24;
	[sflag:s3] =	ssyncadd.s32 $0xFFFF3000  }
0x1b: {  	[tilespmem:s2], [sflag:$0x3] =	stream.linear.gather [hbm4b:s13+s2], $0x1A0, $0x38;
	[tilespmem:$0x1A400] =	vst v63  }
0x1c: {  	_ =	swait.ge [sflag:s3], $0x1A0  }
0x1d: {  	[sflag:s3] =	ssyncset.done $0x0  }
0x1e: {  	s14 =	simm.s32 $0x2;
	[sflag:s3] =	ssyncadd.s32 $0xFFFFFE60  }
0x1f: {  	[tilespmem:s7], [sflag:$0x1] =	stream.indirect.gather [hbm4b:s5+s6], $0x80, s2, s6, $0xb8;
	[tilespmem:$0x1A400] =	vst v63  }
0x20: {  	_ =	swait.ge [sflag:s14], $0xD000  }
0x21: {  	s29 =	sadd.s32 $0xC94000, s15;
	[sflag:s14] =	ssyncset.done $0x0  }
0x22: {  	s15 =	sadd.s32 s28, s29;
	[sflag:s14] =	ssyncadd.s32 $0xFFFF3000  }
0x23: {  	[hbm4b:s15+s2] =	stream.linear.scatter [tilespmem:s10], [sflag:$0x3], $0xD000, $0x38;
	[tilespmem:$0x1A400] =	vst v63  }
0x24: {  	_ =	swait.ge [sflag:s3], $0xD000  }
0x25: {  	[sflag:s3] =	ssyncset.done $0x0  }
0x26: {  	s16 =	sadd.s32 $0xC8F29C, s24;
	[sflag:s3] =	ssyncadd.s32 $0xFFFF3000  }
0x27: {  	[tilespmem:s9], [sflag:$0x3] =	stream.linear.gather [hbm4b:s16+s2], $0x1A0, $0x38;
	[tilespmem:$0x1A400] =	vst v63  }
0x28: {  	_ =	swait.ge [sflag:s3], $0x1A0  }
0x29: {  	[sflag:s3] =	ssyncset.done $0x0  }
0x2a: {  	[sflag:s3] =	ssyncadd.s32 $0xFFFFFE60  }
0x2b: {  	[tilespmem:s10], [sflag:$0x2] =	stream.indirect.gather [hbm4b:s5+s6], $0x80, s9, s6, $0xb8;
	[tilespmem:$0x1A400] =	vst v63  }
0x2c: {  	_ =	swait.ge [sflag:s11], $0xD000  }
0x2d: {  	s19 =	sadd.s32 $0x3400, s28;
	[sflag:s11] =	ssyncset.done $0x0  }
0x2e: {  	s17 =	sadd.s32 s25, s19;
	[sflag:s11] =	ssyncadd.s32 $0xFFFF3000  }
0x2f: {  	[hbm4b:s17+s2] =	stream.linear.scatter [tilespmem:s7], [sflag:$0x3], $0xD000, $0x38;
	[tilespmem:$0x1A400] =	vst v63  }
0x30: {  	_ =	swait.ge [sflag:s3], $0xD000  }
0x31: {  	[sflag:s3] =	ssyncset.done $0x0  }
0x32: {  	s18 =	sadd.s32 $0xC8F2D0, s24;
	[sflag:s3] =	ssyncadd.s32 $0xFFFF3000  }
0x33: {  	[tilespmem:s2], [sflag:$0x3] =	stream.linear.gather [hbm4b:s18+s2], $0x1A0, $0x38;
	[tilespmem:$0x1A400] =	vst v63  }
0x34: {  	_ =	swait.ge [sflag:s3], $0x1A0  }
0x35: {  	[sflag:s3] =	ssyncset.done $0x0  }
0x36: {  	[sflag:s3] =	ssyncadd.s32 $0xFFFFFE60  }
0x37: {  	[tilespmem:s7], [sflag:$0x1] =	stream.indirect.gather [hbm4b:s5+s6], $0x80, s2, s6, $0xb8;
	[tilespmem:$0x1A400] =	vst v63  }
0x38: {  	_ =	swait.ge [sflag:s14], $0xD000  }
0x39: {  	[sflag:s14] =	ssyncset.done $0x0  }
0x3a: {  	s19 =	sadd.s32 s19, s29;
	[sflag:s14] =	ssyncadd.s32 $0xFFFF3000  }
0x3b: {  	[hbm4b:s19+s2] =	stream.linear.scatter [tilespmem:s10], [sflag:$0x3], $0xD000, $0x38;
	[tilespmem:$0x1A400] =	vst v63  }
0x3c: {  	_ =	swait.ge [sflag:s3], $0xD000  }
0x3d: {  	[sflag:s3] =	ssyncset.done $0x0  }
0x3e: {  	s20 =	sadd.s32 $0xC8F304, s24;
	[sflag:s3] =	ssyncadd.s32 $0xFFFF3000  }
0x3f: {  	[tilespmem:s9], [sflag:$0x3] =	stream.linear.gather [hbm4b:s20+s2], $0x1A0, $0x38;
	[tilespmem:$0x1A400] =	vst v63  }
0x40: {  	_ =	swait.ge [sflag:s3], $0x1A0  }
0x41: {  	[sflag:s3] =	ssyncset.done $0x0  }
0x42: {  	[sflag:s3] =	ssyncadd.s32 $0xFFFFFE60  }
0x43: {  	[tilespmem:s10], [sflag:$0x2] =	stream.indirect.gather [hbm4b:s5+s6], $0x80, s9, s6, $0xb8;
	[tilespmem:$0x1A400] =	vst v63  }
0x44: {  	_ =	swait.ge [sflag:s11], $0xD000  }
0x45: {  	s23 =	sadd.s32 $0x6800, s28;
	[sflag:s11] =	ssyncset.done $0x0  }
0x46: {  	s21 =	sadd.s32 s25, s23;
	[sflag:s11] =	ssyncadd.s32 $0xFFFF3000  }
0x47: {  	[hbm4b:s21+s2] =	stream.linear.scatter [tilespmem:s7], [sflag:$0x3], $0xD000, $0x38;
	[tilespmem:$0x1A400] =	vst v63  }
0x48: {  	_ =	swait.ge [sflag:s3], $0xD000  }
0x49: {  	[sflag:s3] =	ssyncset.done $0x0  }
0x4a: {  	s22 =	sadd.s32 $0xC8F338, s24;
	[sflag:s3] =	ssyncadd.s32 $0xFFFF3000  }
0x4b: {  	[tilespmem:s2], [sflag:$0x3] =	stream.linear.gather [hbm4b:s22+s2], $0x1A0, $0x38;
	[tilespmem:$0x1A400] =	vst v63  }
0x4c: {  	_ =	swait.ge [sflag:s3], $0x1A0  }
0x4d: {  	[sflag:s3] =	ssyncset.done $0x0  }
0x4e: {  	[sflag:s3] =	ssyncadd.s32 $0xFFFFFE60  }
0x4f: {  	[tilespmem:s7], [sflag:$0x1] =	stream.indirect.gather [hbm4b:s5+s6], $0x80, s2, s6, $0xb8;
	[tilespmem:$0x1A400] =	vst v63  }
0x50: {  	_ =	swait.ge [sflag:s14], $0xD000  }
0x51: {  	[sflag:s14] =	ssyncset.done $0x0  }
0x52: {  	s23 =	sadd.s32 s23, s29;
	[sflag:s14] =	ssyncadd.s32 $0xFFFF3000  }
0x53: {  	[hbm4b:s23+s2] =	stream.linear.scatter [tilespmem:s10], [sflag:$0x3], $0xD000, $0x38;
	[tilespmem:$0x1A400] =	vst v63  }
0x54: {  	_ =	swait.ge [sflag:s3], $0xD000  }
0x55: {  	[sflag:s3] =	ssyncset.done $0x0  }
0x56: {  	s24 =	sadd.s32 $0xC8F36C, s24;
	[sflag:s3] =	ssyncadd.s32 $0xFFFF3000  }
0x57: {  	[tilespmem:s9], [sflag:$0x3] =	stream.linear.gather [hbm4b:s24+s2], $0x1A0, $0x38;
	[tilespmem:$0x1A400] =	vst v63  }
0x58: {  	_ =	swait.ge [sflag:s3], $0x1A0  }
0x59: {  	[sflag:s3] =	ssyncset.done $0x0  }
0x5a: {  	[sflag:s3] =	ssyncadd.s32 $0xFFFFFE60  }
0x5b: {  	[tilespmem:s10], [sflag:$0x2] =	stream.indirect.gather [hbm4b:s5+s6], $0x80, s9, s6, $0xb8;
	[tilespmem:$0x1A400] =	vst v63  }
0x5c: {  	_ =	swait.ge [sflag:s11], $0xD000  }
0x5d: {  	s28 =	sadd.s32 $0x9C00, s28;
	[sflag:s11] =	ssyncset.done $0x0  }
0x5e: {  	s26 =	ssub.s32 $0x2, s26;
	s25 =	sadd.s32 s25, s28;
	[sflag:s11] =	ssyncadd.s32 $0xFFFF3000  }
0x5f: {  	[hbm4b:s25+s2] =	stream.linear.scatter [tilespmem:s7], [sflag:$0x3], $0xD000, $0x38;
	[tilespmem:$0x1A400] =	vst v63  }
0x60: {  	s30 =	sshrl.u32 s26, $0x1;
	_ =	swait.ge [sflag:s3], $0xD000  }
0x61: {  	s30 =	ssub.s32 s26, s30;
	[sflag:s3] =	ssyncset.done $0x0  }
0x62: {  	s26 =	sadd.s32 s28, s29;
	s28 =	smax.u32 s30, $0x1;
	[sflag:s3] =	ssyncadd.s32 $0xFFFF3000  }
0x63: {  	p0 =	sne.s32 s28, $0x1;
	_ =	swait.ge [sflag:s14], $0xD000  }
.Ltmp0:
0x64: {  	[sflag:s14] =	ssyncset.done $0x0;
	(pc) =	sbr.rel @!p0 .LBB2_2-.Ltmp0, $4  }
0x65: {  	[sflag:s14] =	ssyncadd.s32 $0xFFFF3000  }
0x66: {  	[hbm4b:s26+s2] =	stream.linear.scatter [tilespmem:s10], [sflag:$0x3], $0xD000, $0x38;
	[tilespmem:$0x1A400] =	vst v63  }
0x67: {  	_ =	swait.ge [sflag:s3], $0xD000  }
0x68: {  	s28 =	sadd.s32 $0xFFFFFFFF, s28;
	[sflag:s3] =	ssyncset.done $0x0  }
.LBB2_1:
0x69: {  	p0 =	sne.s32 s28, $0x1;
	s28 =	sadd.s32 $0xFFFFFFFF, s28;
	[sflag:s3] =	ssyncadd.s32 $0xFFFF3000  }
0x6a: {  	[tilespmem:s2], [sflag:$0x3] =	stream.linear.gather [hbm4b:s4+s2], $0x1A0, $0x38;
	[tilespmem:$0x1A400] =	vst v63  }
0x6b: {  	_ =	swait.ge [sflag:s3], $0x1A0  }
0x6c: {  	[sflag:s3] =	ssyncset.done $0x0  }
0x6d: {  	[sflag:s3] =	ssyncadd.s32 $0xFFFFFE60  }
0x6e: {  	[tilespmem:s7], [sflag:$0x1] =	stream.indirect.gather [hbm4b:s5+s6], $0x80, s2, s6, $0xb8;
	[tilespmem:$0x1A400] =	vst v63  }
0x6f: {  	_ = 	snop  }
0x70: {  	[tilespmem:s9], [sflag:$0x3] =	stream.linear.gather [hbm4b:s8+s2], $0x1A0, $0x38;
	[tilespmem:$0x1A400] =	vst v63  }
0x71: {  	_ =	swait.ge [sflag:s3], $0x1A0  }
0x72: {  	[sflag:s3] =	ssyncset.done $0x0  }
0x73: {  	[sflag:s3] =	ssyncadd.s32 $0xFFFFFE60  }
0x74: {  	[tilespmem:s10], [sflag:$0x2] =	stream.indirect.gather [hbm4b:s5+s6], $0x80, s9, s6, $0xb8;
	[tilespmem:$0x1A400] =	vst v63  }
0x75: {  	_ =	swait.ge [sflag:s11], $0xD000  }
0x76: {  	[sflag:s11] =	ssyncset.done $0x0  }
0x77: {  	[sflag:s11] =	ssyncadd.s32 $0xFFFF3000  }
0x78: {  	[hbm4b:s12+s2] =	stream.linear.scatter [tilespmem:s7], [sflag:$0x3], $0xD000, $0x38;
	[tilespmem:$0x1A400] =	vst v63  }
0x79: {  	_ =	swait.ge [sflag:s3], $0xD000  }
0x7a: {  	[sflag:s3] =	ssyncset.done $0x0  }
0x7b: {  	[sflag:s3] =	ssyncadd.s32 $0xFFFF3000  }
0x7c: {  	[tilespmem:s2], [sflag:$0x3] =	stream.linear.gather [hbm4b:s13+s2], $0x1A0, $0x38;
	[tilespmem:$0x1A400] =	vst v63  }
0x7d: {  	_ =	swait.ge [sflag:s3], $0x1A0  }
0x7e: {  	[sflag:s3] =	ssyncset.done $0x0  }
0x7f: {  	[sflag:s3] =	ssyncadd.s32 $0xFFFFFE60  }
0x80: {  	[tilespmem:s7], [sflag:$0x1] =	stream.indirect.gather [hbm4b:s5+s6], $0x80, s2, s6, $0xb8;
	[tilespmem:$0x1A400] =	vst v63  }
0x81: {  	_ =	swait.ge [sflag:s14], $0xD000  }
0x82: {  	[sflag:s14] =	ssyncset.done $0x0  }
0x83: {  	[sflag:s14] =	ssyncadd.s32 $0xFFFF3000  }
0x84: {  	[hbm4b:s15+s2] =	stream.linear.scatter [tilespmem:s10], [sflag:$0x3], $0xD000, $0x38;
	[tilespmem:$0x1A400] =	vst v63  }
0x85: {  	_ =	swait.ge [sflag:s3], $0xD000  }
0x86: {  	[sflag:s3] =	ssyncset.done $0x0  }
0x87: {  	[sflag:s3] =	ssyncadd.s32 $0xFFFF3000  }
0x88: {  	[tilespmem:s9], [sflag:$0x3] =	stream.linear.gather [hbm4b:s16+s2], $0x1A0, $0x38;
	[tilespmem:$0x1A400] =	vst v63  }
0x89: {  	_ =	swait.ge [sflag:s3], $0x1A0  }
0x8a: {  	[sflag:s3] =	ssyncset.done $0x0  }
0x8b: {  	[sflag:s3] =	ssyncadd.s32 $0xFFFFFE60  }
0x8c: {  	[tilespmem:s10], [sflag:$0x2] =	stream.indirect.gather [hbm4b:s5+s6], $0x80, s9, s6, $0xb8;
	[tilespmem:$0x1A400] =	vst v63  }
0x8d: {  	_ =	swait.ge [sflag:s11], $0xD000  }
0x8e: {  	[sflag:s11] =	ssyncset.done $0x0  }
0x8f: {  	[sflag:s11] =	ssyncadd.s32 $0xFFFF3000  }
0x90: {  	[hbm4b:s17+s2] =	stream.linear.scatter [tilespmem:s7], [sflag:$0x3], $0xD000, $0x38;
	[tilespmem:$0x1A400] =	vst v63  }
0x91: {  	_ =	swait.ge [sflag:s3], $0xD000  }
0x92: {  	[sflag:s3] =	ssyncset.done $0x0  }
0x93: {  	[sflag:s3] =	ssyncadd.s32 $0xFFFF3000  }
0x94: {  	[tilespmem:s2], [sflag:$0x3] =	stream.linear.gather [hbm4b:s18+s2], $0x1A0, $0x38;
	[tilespmem:$0x1A400] =	vst v63  }
0x95: {  	_ =	swait.ge [sflag:s3], $0x1A0  }
0x96: {  	[sflag:s3] =	ssyncset.done $0x0  }
0x97: {  	[sflag:s3] =	ssyncadd.s32 $0xFFFFFE60  }
0x98: {  	[tilespmem:s7], [sflag:$0x1] =	stream.indirect.gather [hbm4b:s5+s6], $0x80, s2, s6, $0xb8;
	[tilespmem:$0x1A400] =	vst v63  }
0x99: {  	_ =	swait.ge [sflag:s14], $0xD000  }
0x9a: {  	[sflag:s14] =	ssyncset.done $0x0  }
0x9b: {  	[sflag:s14] =	ssyncadd.s32 $0xFFFF3000  }
0x9c: {  	[hbm4b:s19+s2] =	stream.linear.scatter [tilespmem:s10], [sflag:$0x3], $0xD000, $0x38;
	[tilespmem:$0x1A400] =	vst v63  }
0x9d: {  	_ =	swait.ge [sflag:s3], $0xD000  }
0x9e: {  	[sflag:s3] =	ssyncset.done $0x0  }
0x9f: {  	[sflag:s3] =	ssyncadd.s32 $0xFFFF3000  }
0xa0: {  	[tilespmem:s9], [sflag:$0x3] =	stream.linear.gather [hbm4b:s20+s2], $0x1A0, $0x38;
	[tilespmem:$0x1A400] =	vst v63  }
0xa1: {  	_ =	swait.ge [sflag:s3], $0x1A0  }
0xa2: {  	[sflag:s3] =	ssyncset.done $0x0  }
0xa3: {  	[sflag:s3] =	ssyncadd.s32 $0xFFFFFE60  }
0xa4: {  	[tilespmem:s10], [sflag:$0x2] =	stream.indirect.gather [hbm4b:s5+s6], $0x80, s9, s6, $0xb8;
	[tilespmem:$0x1A400] =	vst v63  }
0xa5: {  	_ =	swait.ge [sflag:s11], $0xD000  }
0xa6: {  	[sflag:s11] =	ssyncset.done $0x0  }
0xa7: {  	[sflag:s11] =	ssyncadd.s32 $0xFFFF3000  }
0xa8: {  	[hbm4b:s21+s2] =	stream.linear.scatter [tilespmem:s7], [sflag:$0x3], $0xD000, $0x38;
	[tilespmem:$0x1A400] =	vst v63  }
0xa9: {  	_ =	swait.ge [sflag:s3], $0xD000  }
0xaa: {  	[sflag:s3] =	ssyncset.done $0x0  }
0xab: {  	[sflag:s3] =	ssyncadd.s32 $0xFFFF3000  }
0xac: {  	[tilespmem:s2], [sflag:$0x3] =	stream.linear.gather [hbm4b:s22+s2], $0x1A0, $0x38;
	[tilespmem:$0x1A400] =	vst v63  }
0xad: {  	_ =	swait.ge [sflag:s3], $0x1A0  }
0xae: {  	[sflag:s3] =	ssyncset.done $0x0  }
0xaf: {  	[sflag:s3] =	ssyncadd.s32 $0xFFFFFE60  }
0xb0: {  	[tilespmem:s7], [sflag:$0x1] =	stream.indirect.gather [hbm4b:s5+s6], $0x80, s2, s6, $0xb8;
	[tilespmem:$0x1A400] =	vst v63  }
0xb1: {  	_ =	swait.ge [sflag:s14], $0xD000  }
0xb2: {  	[sflag:s14] =	ssyncset.done $0x0  }
0xb3: {  	[sflag:s14] =	ssyncadd.s32 $0xFFFF3000  }
0xb4: {  	[hbm4b:s23+s2] =	stream.linear.scatter [tilespmem:s10], [sflag:$0x3], $0xD000, $0x38;
	[tilespmem:$0x1A400] =	vst v63  }
0xb5: {  	_ =	swait.ge [sflag:s3], $0xD000  }
0xb6: {  	[sflag:s3] =	ssyncset.done $0x0  }
0xb7: {  	[sflag:s3] =	ssyncadd.s32 $0xFFFF3000  }
0xb8: {  	[tilespmem:s9], [sflag:$0x3] =	stream.linear.gather [hbm4b:s24+s2], $0x1A0, $0x38;
	[tilespmem:$0x1A400] =	vst v63  }
0xb9: {  	_ =	swait.ge [sflag:s3], $0x1A0  }
0xba: {  	[sflag:s3] =	ssyncset.done $0x0  }
0xbb: {  	[sflag:s3] =	ssyncadd.s32 $0xFFFFFE60  }
0xbc: {  	[tilespmem:s10], [sflag:$0x2] =	stream.indirect.gather [hbm4b:s5+s6], $0x80, s9, s6, $0xb8;
	[tilespmem:$0x1A400] =	vst v63  }
0xbd: {  	_ =	swait.ge [sflag:s11], $0xD000  }
0xbe: {  	[sflag:s11] =	ssyncset.done $0x0  }
0xbf: {  	[sflag:s11] =	ssyncadd.s32 $0xFFFF3000  }
0xc0: {  	[hbm4b:s25+s2] =	stream.linear.scatter [tilespmem:s7], [sflag:$0x3], $0xD000, $0x38;
	[tilespmem:$0x1A400] =	vst v63  }
0xc1: {  	_ =	swait.ge [sflag:s3], $0xD000  }
0xc2: {  	[sflag:s3] =	ssyncset.done $0x0  }
0xc3: {  	[sflag:s3] =	ssyncadd.s32 $0xFFFF3000  }
0xc4: {  	_ =	swait.ge [sflag:s14], $0xD000  }
.Ltmp1:
0xc5: {  	[sflag:s14] =	ssyncset.done $0x0;
	(pc) =	sbr.rel @p0 .LBB2_1-.Ltmp1, $4  }
0xc6: {  	[sflag:s14] =	ssyncadd.s32 $0xFFFF3000  }
0xc7: {  	[hbm4b:s26+s2] =	stream.linear.scatter [tilespmem:s10], [sflag:$0x3], $0xD000, $0x38;
	[tilespmem:$0x1A400] =	vst v63  }
0xc8: {  	_ =	swait.ge [sflag:s3], $0xD000  }
0xc9: {  	[sflag:s3] =	ssyncset.done $0x0  }
.LBB2_2:
0xca: {  	[sflag:s3] =	ssyncadd.s32 $0xFFFF3000  }
0xcb: {  	_ =	sfence.sel $0x180000  }
0xcc: {  	[bflag:$0x0] =	sbarrier.arrive $0xFFFF  }
0xcd: {  	p0 =	sne.s32 s0, $0x0;
	_ =	strace $0x90000050  }
0xce: {  	s0 =	sadd.s32 @!p0 $0x100000, s1;
	[bflag:$0x2] =	sbarrier.arrive $0xFFFF  }
0xcf: {  	[sflag:s0] =	ssyncadd.tile.s32 @!p0 $0x1;
	_ =	shalt  }
.Lfunc_end2:
_tile_overlayer_lowered:
.L_overlay_start_2:
0xd0: {  	(tag) =	ssettag $0x2  }
0xd1: {  	s0 =	rddreg [dreg:$0x0];
	s2 =	stileid.u32  }
0xd2: {  	s1 =	rddreg [dreg:$0x1];
	p0 =	sne.s32 s2, $0x0  }
0xd3: {  	s3 =	rddreg [dreg:$0x2];
	[bflag:$0x3] =	sbarrier.arrive $0xFFFF;
	s2 =	simm.s32 @!p0 $0x1C03  }
0xd4: {  	[timem:s3], [sflag:s2] =	dma.local @!p0 [hbm:s0], s1  }
0xd5: {  	s0 =	simm.s32 @!p0 $0x3  }
0xd6: {  	_ =	swait.ge @!p0 [sflag:s0], s1  }
0xd7: {  	s1 =	ssub.s32 @!p0 $0x0, s1;
	[sflag:s0] =	ssyncset.done @!p0 $0x0  }
0xd8: {  	[sflag:s0] =	ssyncadd.s32 @!p0 s1  }
0xd9: {  	[bflag:$0x3] =	sbarrier.arrive $0xFFFF  }
0xda: {  	_ =	shalt  }

</sc_bundles>
